<compile_context>
chip_gen: v7x
topology: tpu7x:2x2x1
jax: 0.10.2.dev20260603
libtpu: 0.0.44.dev20260713+nightly
codegen_flags: <defaults>
</compile_context>

<pallas_src>
import functools

import jax
import jax.numpy as jnp
from jax import lax
from jax.experimental import pallas as pl
from jax.experimental.pallas import tpu as pltpu
from jax.experimental.pallas import tpu_sc as plsc

N_NODES = 10000
D = 128
DH = 64
NPAD = 10112
DUMMY = 10048
NS = 16
NCH = 157
B = 128
DEGW = 16
ROWS_PER_TILE = NPAD // NS
NSLOT = 4
NFULL = (NCH // NSLOT) * NSLOT
NTAIL = NCH - NFULL


def _sc_aggregate(xh, src3, dst3):
    mesh = plsc.VectorSubcoreMesh(core_axis_name="c", subcore_axis_name="s")

    @functools.partial(
        pl.kernel,
        mesh=mesh,
        compiler_params=pltpu.CompilerParams(use_tc_tiling_on_sc=False),
        out_type=[
            jax.ShapeDtypeStruct((2, NPAD, DH), jnp.float32),
            jax.ShapeDtypeStruct((2, NPAD, DEGW), jnp.float32),
        ],
        scratch_types=[
            pltpu.VMEM((NCH, B), jnp.int32),
            pltpu.VMEM((NCH, B), jnp.int32),
            pltpu.VMEM((NSLOT, B, DH), jnp.float32),
            pltpu.VMEM((B, DEGW), jnp.float32),
            pltpu.VMEM((B, DEGW), jnp.float32),
            pltpu.VMEM_SHARED((NPAD, DH), jnp.float32),
            pltpu.VMEM_SHARED((NPAD, DEGW), jnp.float32),
            [pltpu.SemaphoreType.DMA] * NSLOT,
            pltpu.SemaphoreType.DMA,
        ],
    )
    def agg_kernel(x_hbm, src_hbm, dst_hbm, agg_out, deg_out,
                   src_v, dst_v, rows_v, one_v, z16_v,
                   agg_sh, deg_sh, gsems, dsem):
        c = lax.axis_index("c")
        s = lax.axis_index("s")

        zeros16 = jnp.zeros((16,), jnp.float32)
        onehot = jnp.where(lax.iota(jnp.int32, 16) == 0,
                           jnp.float32(1.0), jnp.float32(0.0))

        def fill_body(i, _):
            for j in range(DH // 16):
                rows_v[0, i, pl.ds(j * 16, 16)] = zeros16
            one_v[i, :] = onehot
            z16_v[i, :] = zeros16
            return 0
        lax.fori_loop(0, B, fill_body, 0)

        zrows = rows_v.at[0]
        base = s * ROWS_PER_TILE
        for k in range(4):
            pltpu.sync_copy(zrows, agg_sh.at[pl.ds(base + k * B, B)])
            pltpu.sync_copy(z16_v, deg_sh.at[pl.ds(base + k * B, B)])
        rem = ROWS_PER_TILE - 4 * B
        pltpu.sync_copy(zrows.at[pl.ds(0, rem)],
                        agg_sh.at[pl.ds(base + 4 * B, rem)])
        pltpu.sync_copy(z16_v.at[pl.ds(0, rem)],
                        deg_sh.at[pl.ds(base + 4 * B, rem)])

        pltpu.sync_copy(src_hbm.at[c].at[s], src_v)
        pltpu.sync_copy(dst_hbm.at[s], dst_v)

        plsc.subcore_barrier()

        def gather(j, slot):
            return pltpu.make_async_copy(
                x_hbm.at[src_v.at[j]], rows_v.at[slot], gsems[slot])

        def deg(j):
            return pltpu.make_async_copy(one_v, deg_sh.at[dst_v.at[j]], dsem)

        for t in range(NSLOT):
            gather(t, t).start()

        def chunk_step(k, t):
            gather(k, t).wait()

            @pl.when(c == k % 2)
            def _():
                deg(k).start(add=True)
            pltpu.sync_copy(rows_v.at[t], agg_sh.at[dst_v.at[k]], add=True)

            @pl.when(k + NSLOT < NCH)
            def _():
                gather(k + NSLOT, t).start()

            @pl.when(c == k % 2)
            def _():
                deg(k).wait()

        def body(jj, _):
            j = jj * NSLOT
            for t in range(NSLOT):
                chunk_step(j + t, t)
            return 0
        lax.fori_loop(0, NFULL // NSLOT, body, 0)

        for t in range(NTAIL):
            chunk_step(NFULL + t, t)

        plsc.subcore_barrier()

        pltpu.sync_copy(agg_sh.at[pl.ds(base, ROWS_PER_TILE)],
                        agg_out.at[c, pl.ds(base, ROWS_PER_TILE)])
        pltpu.sync_copy(deg_sh.at[pl.ds(base, ROWS_PER_TILE)],
                        deg_out.at[c, pl.ds(base, ROWS_PER_TILE)])

    return agg_kernel(xh, src3, dst3)


def _tc_body(aggp_ref, degp_ref, w1_ref, b1_ref, w2_ref, b2_ref, out_ref):
    a = jnp.concatenate([aggp_ref[0], aggp_ref[1]], axis=1)
    d = degp_ref[0] + degp_ref[1]
    dsum = jnp.sum(d, axis=1, keepdims=True)
    a = a / jnp.maximum(dsum, 1.0)
    h = jnp.dot(a, w1_ref[...], preferred_element_type=jnp.float32) + b1_ref[...]
    h = jnp.maximum(h, 0.0)
    lg = jnp.dot(h, w2_ref[...], preferred_element_type=jnp.float32) + b2_ref[...]
    m = jnp.max(lg, axis=1, keepdims=True)
    out_ref[...] = (lg - m) - jnp.log(
        jnp.sum(jnp.exp(lg - m), axis=1, keepdims=True))


def _tc_epilogue(aggp, degp, W1, b1, W2, b2):
    R = 1000
    return pl.pallas_call(
        _tc_body,
        grid=(N_NODES // R,),
        in_specs=[
            pl.BlockSpec((2, R, DH), lambda i: (0, i, 0)),
            pl.BlockSpec((2, R, DEGW), lambda i: (0, i, 0)),
            pl.BlockSpec((D, D), lambda i: (0, 0)),
            pl.BlockSpec((1, D), lambda i: (0, 0)),
            pl.BlockSpec((D, 2), lambda i: (0, 0)),
            pl.BlockSpec((1, 2), lambda i: (0, 0)),
        ],
        out_specs=pl.BlockSpec((R, 2), lambda i: (i, 0)),
        out_shape=jax.ShapeDtypeStruct((N_NODES, 2), jnp.float32),
    )(aggp, degp, W1, b1, W2, b2)


def kernel(x, edge_index, W1, b1, W2, b2):
    src = edge_index[0].astype(jnp.int32)
    dst = edge_index[1].astype(jnp.int32)
    n_edges = src.shape[0]
    pad = NS * NCH * B - n_edges
    src2 = jnp.concatenate([2 * src, jnp.zeros((pad,), jnp.int32)])
    src3 = jnp.stack([src2, src2 + 1]).reshape(2, NS, NCH, B)
    dst3 = jnp.concatenate([dst, jnp.full((pad,), DUMMY, jnp.int32)]).reshape(NS, NCH, B)
    xh = x.reshape(2 * N_NODES, DH)
    aggp, degp = _sc_aggregate(xh, src3, dst3)
    return _tc_epilogue(aggp, degp, W1,
                        b1.reshape(1, D), W2, b2.reshape(1, 2))

# --- scband reference (transcript-rebuilt; emitter-appended) ---
"""Pipeline reference for scband-fair-gnn-10282151707073 (READ-ONLY COPY).

The authoritative reference and input builder live on the scoring server;
editing this copy changes nothing except your own understanding.
"""

import jax, jax.numpy as jnp
import numpy as np

N_NODES = 10000
N_EDGES = 320000
D_FEAT = 128
HIDDEN = 128
N_CLASSES = 2


def setup_inputs(seed: int = 0) -> dict:
    key = jax.random.key(seed)
    k1, k2, k3, k4, k5, k6 = jax.random.split(key, 6)
    x = jax.random.normal(k1, (N_NODES, D_FEAT), dtype=jnp.float32)
    edge_index = jax.random.randint(k2, (2, N_EDGES), 0, N_NODES, dtype=jnp.int64)
    # FAME conv parameters (message-passing linear transform)
    W1 = jax.random.normal(k3, (D_FEAT, HIDDEN), dtype=jnp.float32) * (1.0 / np.sqrt(D_FEAT))
    b1 = jnp.zeros((HIDDEN,), dtype=jnp.float32)
    # final classifier fc: Linear(hidden, 2)
    W2 = jax.random.normal(k4, (HIDDEN, N_CLASSES), dtype=jnp.float32) * (1.0 / np.sqrt(HIDDEN))
    b2 = jnp.zeros((N_CLASSES,), dtype=jnp.float32)
    return {"x": x, "edge_index": edge_index, "W1": W1, "b1": b1, "W2": W2, "b2": b2}


def reference(x, edge_index, W1, b1, W2, b2):
    src = edge_index[0]
    dst = edge_index[1]
    # message passing: gather source node features, mean-aggregate at destination
    msgs = jnp.take(x, src, axis=0)                                  # [E, d_feat] gather
    agg = jax.ops.segment_sum(msgs, dst, num_segments=N_NODES)       # [N, d_feat] scatter-add
    deg = jax.ops.segment_sum(jnp.ones((src.shape[0],), jnp.float32), dst, num_segments=N_NODES)
    agg = agg / jnp.maximum(deg, 1.0)[:, None]
    h = agg @ W1 + b1                                                # conv1 linear transform
    h = jax.nn.relu(h)
    logits = h @ W2 + b2                                             # fc
    # log_softmax over dim=1
    out = logits - jax.scipy.special.logsumexp(logits, axis=1, keepdims=True)
    return out

if __name__ == "__main__":
    import jax
    _d = setup_inputs()
    print(jax.jit(kernel)(*tuple(_d.values())))

</pallas_src>

<mosaic_0001>
#map = affine_map<(d0, d1) -> (0, 0)>
#map1 = affine_map<(d0, d1) -> (0, 0, 0, 0)>
#map2 = affine_map<(d0, d1) -> (0, 0, 0)>
module attributes {stable_mosaic.version = 14 : i64} {
  func.func @agg_kernel(%arg0: i32, %arg1: i32, %arg2: memref<20000x64xf32, #tpu.memory_space<hbm>>, %arg3: memref<2x16x157x128xi32, #tpu.memory_space<hbm>>, %arg4: memref<16x157x128xi32, #tpu.memory_space<hbm>>, %arg5: memref<2x10112x64xf32, #tpu.memory_space<hbm>>, %arg6: memref<2x10112x16xf32, #tpu.memory_space<hbm>>, %arg7: memref<157x128xi32, #tpu.memory_space<vmem>>, %arg8: memref<157x128xi32, #tpu.memory_space<vmem>>, %arg9: memref<4x128x64xf32, #tpu.memory_space<vmem>>, %arg10: memref<128x16xf32, #tpu.memory_space<vmem>>, %arg11: memref<128x16xf32, #tpu.memory_space<vmem>>, %arg12: memref<10112x64xf32, #tpu.memory_space<vmem_shared>>, %arg13: memref<10112x16xf32, #tpu.memory_space<vmem_shared>>, %arg14: memref<!tpu.dma_semaphore, #tpu.memory_space<semaphore_mem>>, %arg15: memref<!tpu.dma_semaphore, #tpu.memory_space<semaphore_mem>>, %arg16: memref<!tpu.dma_semaphore, #tpu.memory_space<semaphore_mem>>, %arg17: memref<!tpu.dma_semaphore, #tpu.memory_space<semaphore_mem>>, %arg18: memref<!tpu.dma_semaphore, #tpu.memory_space<semaphore_mem>>) attributes {dimension_semantics = [#tpu.dimension_semantics<core_parallel>, #tpu.dimension_semantics<subcore_parallel>], iteration_bounds = array<i64: 2, 16>, scalar_prefetch = 0 : i64, scratch_operands = 12 : i64, tpu.core_type = #tpu.core_type<sc_vector_subcore>, window_params = [{transform_indices = #map}, {transform_indices = #map1}, {transform_indices = #map2}, {transform_indices = #map2}, {transform_indices = #map2}]} {
    %broadcast_in_dim3A = arith.constant 0.000000e+00 : f32
    %broadcast_in_dim3A_0 = vector.broadcast %broadcast_in_dim3A : f32 to vector<16xf32>
    %iota3A = tpu.iota {dimensions = array<i32: 0>} : vector<16xi32>
    %eq3A = arith.constant 0 : i32
    %eq3A_1 = vector.broadcast %eq3A : i32 to vector<16xi32>
    %eq3A_2 = arith.cmpi eq, %iota3A, %eq3A_1 : vector<16xi32>
    %jit3A = arith.constant 1.000000e+00 : f32
    %jit3A_3 = arith.constant 0.000000e+00 : f32
    %broadcast_in_dim3A_4 = vector.broadcast %jit3A : f32 to vector<16xf32>
    %broadcast_in_dim3A_5 = vector.broadcast %jit3A_3 : f32 to vector<16xf32>
    %select_n3A = arith.select %eq3A_2, %broadcast_in_dim3A_4, %broadcast_in_dim3A_5 : vector<16xi1>, vector<16xf32>
    %scan3A = arith.constant 0 : i32
    %scan3A_6 = arith.constant 0 : i32
    %scan3A_7 = arith.constant 128 : i32
    %scan3A_8 = arith.addi %scan3A_6, %scan3A_7 : i32
    %scan3A_9 = arith.constant 1 : i32
    %scan3A_10 = scf.for %scan3A_112 = %scan3A_6 to %scan3A_8 step %scan3A_9 iter_args(%scan3A_113 = %scan3A) -> (i32)  : i32 {
      %swap3A = arith.constant 0 : i32
      %swap3A_114 = arith.index_cast %swap3A : i32 to index
      %swap3A_115 = arith.index_cast %scan3A_112 : i32 to index
      %swap3A_116 = arith.constant 0 : index
      %swap3A_117 = tpu.vector_load %arg9[%swap3A_114, %swap3A_115, %swap3A_116] {strides = array<i32>} : memref<4x128x64xf32, #tpu.memory_space<vmem>>, vector<1x1x16xf32>,
      %swap3A_118 = vector.shape_cast %swap3A_117 : vector<1x1x16xf32> to vector<16xf32>
      %swap3A_119 = vector.shape_cast %broadcast_in_dim3A_0 : vector<16xf32> to vector<1x1x16xf32>
      tpu.vector_store %arg9[%swap3A_114, %swap3A_115, %swap3A_116], %swap3A_119 {strides = array<i32>} : memref<4x128x64xf32, #tpu.memory_space<vmem>>, vector<1x1x16xf32>,
      %swap3A_120 = arith.constant 0 : i32
      %swap3A_121 = arith.index_cast %swap3A_120 : i32 to index
      %swap3A_122 = arith.index_cast %scan3A_112 : i32 to index
      %swap3A_123 = arith.constant 16 : index
      %swap3A_124 = tpu.vector_load %arg9[%swap3A_121, %swap3A_122, %swap3A_123] {strides = array<i32>} : memref<4x128x64xf32, #tpu.memory_space<vmem>>, vector<1x1x16xf32>,
      %swap3A_125 = vector.shape_cast %swap3A_124 : vector<1x1x16xf32> to vector<16xf32>
      %swap3A_126 = vector.shape_cast %broadcast_in_dim3A_0 : vector<16xf32> to vector<1x1x16xf32>
      tpu.vector_store %arg9[%swap3A_121, %swap3A_122, %swap3A_123], %swap3A_126 {strides = array<i32>} : memref<4x128x64xf32, #tpu.memory_space<vmem>>, vector<1x1x16xf32>,
      %swap3A_127 = arith.constant 0 : i32
      %swap3A_128 = arith.index_cast %swap3A_127 : i32 to index
      %swap3A_129 = arith.index_cast %scan3A_112 : i32 to index
      %swap3A_130 = arith.constant 32 : index
      %swap3A_131 = tpu.vector_load %arg9[%swap3A_128, %swap3A_129, %swap3A_130] {strides = array<i32>} : memref<4x128x64xf32, #tpu.memory_space<vmem>>, vector<1x1x16xf32>,
      %swap3A_132 = vector.shape_cast %swap3A_131 : vector<1x1x16xf32> to vector<16xf32>
      %swap3A_133 = vector.shape_cast %broadcast_in_dim3A_0 : vector<16xf32> to vector<1x1x16xf32>
      tpu.vector_store %arg9[%swap3A_128, %swap3A_129, %swap3A_130], %swap3A_133 {strides = array<i32>} : memref<4x128x64xf32, #tpu.memory_space<vmem>>, vector<1x1x16xf32>,
      %swap3A_134 = arith.constant 0 : i32
      %swap3A_135 = arith.index_cast %swap3A_134 : i32 to index
      %swap3A_136 = arith.index_cast %scan3A_112 : i32 to index
      %swap3A_137 = arith.constant 48 : index
      %swap3A_138 = tpu.vector_load %arg9[%swap3A_135, %swap3A_136, %swap3A_137] {strides = array<i32>} : memref<4x128x64xf32, #tpu.memory_space<vmem>>, vector<1x1x16xf32>,
      %swap3A_139 = vector.shape_cast %swap3A_138 : vector<1x1x16xf32> to vector<16xf32>
      %swap3A_140 = vector.shape_cast %broadcast_in_dim3A_0 : vector<16xf32> to vector<1x1x16xf32>
      tpu.vector_store %arg9[%swap3A_135, %swap3A_136, %swap3A_137], %swap3A_140 {strides = array<i32>} : memref<4x128x64xf32, #tpu.memory_space<vmem>>, vector<1x1x16xf32>,
      %swap3A_141 = arith.index_cast %scan3A_112 : i32 to index
      %swap3A_142 = arith.constant 0 : index
      %swap3A_143 = tpu.vector_load %arg10[%swap3A_141, %swap3A_142] {strides = array<i32>} : memref<128x16xf32, #tpu.memory_space<vmem>>, vector<1x16xf32>,
      %swap3A_144 = vector.shape_cast %swap3A_143 : vector<1x16xf32> to vector<16xf32>
      %swap3A_145 = vector.shape_cast %select_n3A : vector<16xf32> to vector<1x16xf32>
      tpu.vector_store %arg10[%swap3A_141, %swap3A_142], %swap3A_145 {strides = array<i32>} : memref<128x16xf32, #tpu.memory_space<vmem>>, vector<1x16xf32>,
      %swap3A_146 = arith.index_cast %scan3A_112 : i32 to index
      %swap3A_147 = arith.constant 0 : index
      %swap3A_148 = tpu.vector_load %arg11[%swap3A_146, %swap3A_147] {strides = array<i32>} : memref<128x16xf32, #tpu.memory_space<vmem>>, vector<1x16xf32>,
      %swap3A_149 = vector.shape_cast %swap3A_148 : vector<1x16xf32> to vector<16xf32>
      %swap3A_150 = vector.shape_cast %broadcast_in_dim3A_0 : vector<16xf32> to vector<1x16xf32>
      tpu.vector_store %arg11[%swap3A_146, %swap3A_147], %swap3A_150 {strides = array<i32>} : memref<128x16xf32, #tpu.memory_space<vmem>>, vector<1x16xf32>,
      %scan3A_151 = arith.constant 0 : i32
      scf.yield %scan3A_151 : i32
    }
    %scan3A_11 = arith.constant 128 : i32
    %mul3A = arith.constant 632 : i32
    %mul3A_12 = arith.muli %arg1, %mul3A : i32
    %add3A = arith.constant 0 : i32
    %add3A_13 = arith.addi %mul3A_12, %add3A : i32
    %run_scoped3A = arith.constant 0 : i32
    "tpu.region"() ({
      %run_scoped3A_112 = tpu.sem_alloc : memref<!tpu.dma_semaphore, #tpu.memory_space<semaphore_mem>>
      %dma_start3A_113 = arith.constant 0 : i32
      %dma_start3A_114 = arith.constant 0 : i32
      %dma_start3A_115 = tpu.memref_slice %arg9[%run_scoped3A, %dma_start3A_113, %dma_start3A_114] : memref<4x128x64xf32, #tpu.memory_space<vmem>> -> memref<1x128x64xf32, #tpu.memory_space<vmem>>
      %dma_start3A_116 = tpu.memref_squeeze %dma_start3A_115 : memref<1x128x64xf32, #tpu.memory_space<vmem>> -> memref<128x64xf32, #tpu.memory_space<vmem>>
      %dma_start3A_117 = arith.constant 0 : i32
      %dma_start3A_118 = tpu.memref_slice %arg12[%add3A_13, %dma_start3A_117] : memref<10112x64xf32, #tpu.memory_space<vmem_shared>> -> memref<128x64xf32, #tpu.memory_space<vmem_shared>>
      %dma_start3A_119 = arith.constant 0 : i32
      %dma_start3A_120 = tpu.memref_slice %arg12[%add3A_13, %dma_start3A_119] : memref<10112x64xf32, #tpu.memory_space<vmem_shared>> -> memref<128x64xf32, #tpu.memory_space<vmem_shared>>
      %dma_start3A_121 = arith.constant 0 : i32
      %dma_start3A_122 = arith.constant 0 : i32
      %dma_start3A_123 = tpu.memref_slice %arg9[%run_scoped3A, %dma_start3A_121, %dma_start3A_122] : memref<4x128x64xf32, #tpu.memory_space<vmem>> -> memref<1x128x64xf32, #tpu.memory_space<vmem>>
      %dma_start3A_124 = tpu.memref_squeeze %dma_start3A_123 : memref<1x128x64xf32, #tpu.memory_space<vmem>> -> memref<128x64xf32, #tpu.memory_space<vmem>>
      tpu.enqueue_dma source(%dma_start3A_124 : memref<128x64xf32, #tpu.memory_space<vmem>>) target(%dma_start3A_120 : memref<128x64xf32, #tpu.memory_space<vmem_shared>>) target_semaphore(%run_scoped3A_112 : memref<!tpu.dma_semaphore, #tpu.memory_space<semaphore_mem>>)
      %dma_wait3A_125 = arith.constant 0 : i32
      %dma_wait3A_126 = arith.constant 0 : i32
      %dma_wait3A_127 = tpu.memref_slice %arg9[%run_scoped3A, %dma_wait3A_125, %dma_wait3A_126] : memref<4x128x64xf32, #tpu.memory_space<vmem>> -> memref<1x128x64xf32, #tpu.memory_space<vmem>>
      %dma_wait3A_128 = tpu.memref_squeeze %dma_wait3A_127 : memref<1x128x64xf32, #tpu.memory_space<vmem>> -> memref<128x64xf32, #tpu.memory_space<vmem>>
      %dma_wait3A_129 = arith.constant 0 : i32
      %dma_wait3A_130 = tpu.memref_slice %arg12[%add3A_13, %dma_wait3A_129] : memref<10112x64xf32, #tpu.memory_space<vmem_shared>> -> memref<128x64xf32, #tpu.memory_space<vmem_shared>>
      %dma_wait3A_131 = arith.constant 0 : i32
      %dma_wait3A_132 = tpu.memref_slice %arg12[%add3A_13, %dma_wait3A_131] : memref<10112x64xf32, #tpu.memory_space<vmem_shared>> -> memref<128x64xf32, #tpu.memory_space<vmem_shared>>
      %dma_wait3A_133 = arith.constant 0 : i32
      %dma_wait3A_134 = arith.constant 0 : i32
      %dma_wait3A_135 = tpu.memref_slice %arg9[%run_scoped3A, %dma_wait3A_133, %dma_wait3A_134] : memref<4x128x64xf32, #tpu.memory_space<vmem>> -> memref<1x128x64xf32, #tpu.memory_space<vmem>>
      %dma_wait3A_136 = tpu.memref_squeeze %dma_wait3A_135 : memref<1x128x64xf32, #tpu.memory_space<vmem>> -> memref<128x64xf32, #tpu.memory_space<vmem>>
      tpu.wait_dma2 semaphore(%run_scoped3A_112 : memref<!tpu.dma_semaphore, #tpu.memory_space<semaphore_mem>>) src(%dma_wait3A_136 : memref<128x64xf32, #tpu.memory_space<vmem>>) dst(%dma_wait3A_132 : memref<128x64xf32, #tpu.memory_space<vmem_shared>>)
      tpu.yield
    }) : () -> ()
    %add3A_14 = arith.constant 0 : i32
    %add3A_15 = arith.addi %mul3A_12, %add3A_14 : i32
    "tpu.region"() ({
      %run_scoped3A_112 = tpu.sem_alloc : memref<!tpu.dma_semaphore, #tpu.memory_space<semaphore_mem>>
      %dma_start3A_113 = arith.constant 0 : i32
      %dma_start3A_114 = tpu.memref_slice %arg13[%add3A_15, %dma_start3A_113] : memref<10112x16xf32, #tpu.memory_space<vmem_shared>> -> memref<128x16xf32, #tpu.memory_space<vmem_shared>>
      %dma_start3A_115 = arith.constant 0 : i32
      %dma_start3A_116 = tpu.memref_slice %arg13[%add3A_15, %dma_start3A_115] : memref<10112x16xf32, #tpu.memory_space<vmem_shared>> -> memref<128x16xf32, #tpu.memory_space<vmem_shared>>
      tpu.enqueue_dma source(%arg11 : memref<128x16xf32, #tpu.memory_space<vmem>>) target(%dma_start3A_116 : memref<128x16xf32, #tpu.memory_space<vmem_shared>>) target_semaphore(%run_scoped3A_112 : memref<!tpu.dma_semaphore, #tpu.memory_space<semaphore_mem>>)
      %dma_wait3A_117 = arith.constant 0 : i32
      %dma_wait3A_118 = tpu.memref_slice %arg13[%add3A_15, %dma_wait3A_117] : memref<10112x16xf32, #tpu.memory_space<vmem_shared>> -> memref<128x16xf32, #tpu.memory_space<vmem_shared>>
      %dma_wait3A_119 = arith.constant 0 : i32
      %dma_wait3A_120 = tpu.memref_slice %arg13[%add3A_15, %dma_wait3A_119] : memref<10112x16xf32, #tpu.memory_space<vmem_shared>> -> memref<128x16xf32, #tpu.memory_space<vmem_shared>>
      tpu.wait_dma2 semaphore(%run_scoped3A_112 : memref<!tpu.dma_semaphore, #tpu.memory_space<semaphore_mem>>) src(%arg11 : memref<128x16xf32, #tpu.memory_space<vmem>>) dst(%dma_wait3A_120 : memref<128x16xf32, #tpu.memory_space<vmem_shared>>)
      tpu.yield
    }) : () -> ()
    %add3A_16 = arith.constant 128 : i32
    %add3A_17 = arith.addi %mul3A_12, %add3A_16 : i32
    %run_scoped3A_18 = arith.constant 0 : i32
    "tpu.region"() ({
      %run_scoped3A_112 = tpu.sem_alloc : memref<!tpu.dma_semaphore, #tpu.memory_space<semaphore_mem>>
      %dma_start3A_113 = arith.constant 0 : i32
      %dma_start3A_114 = arith.constant 0 : i32
      %dma_start3A_115 = tpu.memref_slice %arg9[%run_scoped3A_18, %dma_start3A_113, %dma_start3A_114] : memref<4x128x64xf32, #tpu.memory_space<vmem>> -> memref<1x128x64xf32, #tpu.memory_space<vmem>>
      %dma_start3A_116 = tpu.memref_squeeze %dma_start3A_115 : memref<1x128x64xf32, #tpu.memory_space<vmem>> -> memref<128x64xf32, #tpu.memory_space<vmem>>
      %dma_start3A_117 = arith.constant 0 : i32
      %dma_start3A_118 = tpu.memref_slice %arg12[%add3A_17, %dma_start3A_117] : memref<10112x64xf32, #tpu.memory_space<vmem_shared>> -> memref<128x64xf32, #tpu.memory_space<vmem_shared>>
      %dma_start3A_119 = arith.constant 0 : i32
      %dma_start3A_120 = tpu.memref_slice %arg12[%add3A_17, %dma_start3A_119] : memref<10112x64xf32, #tpu.memory_space<vmem_shared>> -> memref<128x64xf32, #tpu.memory_space<vmem_shared>>
      %dma_start3A_121 = arith.constant 0 : i32
      %dma_start3A_122 = arith.constant 0 : i32
      %dma_start3A_123 = tpu.memref_slice %arg9[%run_scoped3A_18, %dma_start3A_121, %dma_start3A_122] : memref<4x128x64xf32, #tpu.memory_space<vmem>> -> memref<1x128x64xf32, #tpu.memory_space<vmem>>
      %dma_start3A_124 = tpu.memref_squeeze %dma_start3A_123 : memref<1x128x64xf32, #tpu.memory_space<vmem>> -> memref<128x64xf32, #tpu.memory_space<vmem>>
      tpu.enqueue_dma source(%dma_start3A_124 : memref<128x64xf32, #tpu.memory_space<vmem>>) target(%dma_start3A_120 : memref<128x64xf32, #tpu.memory_space<vmem_shared>>) target_semaphore(%run_scoped3A_112 : memref<!tpu.dma_semaphore, #tpu.memory_space<semaphore_mem>>)
      %dma_wait3A_125 = arith.constant 0 : i32
      %dma_wait3A_126 = arith.constant 0 : i32
      %dma_wait3A_127 = tpu.memref_slice %arg9[%run_scoped3A_18, %dma_wait3A_125, %dma_wait3A_126] : memref<4x128x64xf32, #tpu.memory_space<vmem>> -> memref<1x128x64xf32, #tpu.memory_space<vmem>>
      %dma_wait3A_128 = tpu.memref_squeeze %dma_wait3A_127 : memref<1x128x64xf32, #tpu.memory_space<vmem>> -> memref<128x64xf32, #tpu.memory_space<vmem>>
      %dma_wait3A_129 = arith.constant 0 : i32
      %dma_wait3A_130 = tpu.memref_slice %arg12[%add3A_17, %dma_wait3A_129] : memref<10112x64xf32, #tpu.memory_space<vmem_shared>> -> memref<128x64xf32, #tpu.memory_space<vmem_shared>>
      %dma_wait3A_131 = arith.constant 0 : i32
      %dma_wait3A_132 = tpu.memref_slice %arg12[%add3A_17, %dma_wait3A_131] : memref<10112x64xf32, #tpu.memory_space<vmem_shared>> -> memref<128x64xf32, #tpu.memory_space<vmem_shared>>
      %dma_wait3A_133 = arith.constant 0 : i32
      %dma_wait3A_134 = arith.constant 0 : i32
      %dma_wait3A_135 = tpu.memref_slice %arg9[%run_scoped3A_18, %dma_wait3A_133, %dma_wait3A_134] : memref<4x128x64xf32, #tpu.memory_space<vmem>> -> memref<1x128x64xf32, #tpu.memory_space<vmem>>
      %dma_wait3A_136 = tpu.memref_squeeze %dma_wait3A_135 : memref<1x128x64xf32, #tpu.memory_space<vmem>> -> memref<128x64xf32, #tpu.memory_space<vmem>>
      tpu.wait_dma2 semaphore(%run_scoped3A_112 : memref<!tpu.dma_semaphore, #tpu.memory_space<semaphore_mem>>) src(%dma_wait3A_136 : memref<128x64xf32, #tpu.memory_space<vmem>>) dst(%dma_wait3A_132 : memref<128x64xf32, #tpu.memory_space<vmem_shared>>)
      tpu.yield
    }) : () -> ()
    %add3A_19 = arith.constant 128 : i32
    %add3A_20 = arith.addi %mul3A_12, %add3A_19 : i32
    "tpu.region"() ({
      %run_scoped3A_112 = tpu.sem_alloc : memref<!tpu.dma_semaphore, #tpu.memory_space<semaphore_mem>>
      %dma_start3A_113 = arith.constant 0 : i32
      %dma_start3A_114 = tpu.memref_slice %arg13[%add3A_20, %dma_start3A_113] : memref<10112x16xf32, #tpu.memory_space<vmem_shared>> -> memref<128x16xf32, #tpu.memory_space<vmem_shared>>
      %dma_start3A_115 = arith.constant 0 : i32
      %dma_start3A_116 = tpu.memref_slice %arg13[%add3A_20, %dma_start3A_115] : memref<10112x16xf32, #tpu.memory_space<vmem_shared>> -> memref<128x16xf32, #tpu.memory_space<vmem_shared>>
      tpu.enqueue_dma source(%arg11 : memref<128x16xf32, #tpu.memory_space<vmem>>) target(%dma_start3A_116 : memref<128x16xf32, #tpu.memory_space<vmem_shared>>) target_semaphore(%run_scoped3A_112 : memref<!tpu.dma_semaphore, #tpu.memory_space<semaphore_mem>>)
      %dma_wait3A_117 = arith.constant 0 : i32
      %dma_wait3A_118 = tpu.memref_slice %arg13[%add3A_20, %dma_wait3A_117] : memref<10112x16xf32, #tpu.memory_space<vmem_shared>> -> memref<128x16xf32, #tpu.memory_space<vmem_shared>>
      %dma_wait3A_119 = arith.constant 0 : i32
      %dma_wait3A_120 = tpu.memref_slice %arg13[%add3A_20, %dma_wait3A_119] : memref<10112x16xf32, #tpu.memory_space<vmem_shared>> -> memref<128x16xf32, #tpu.memory_space<vmem_shared>>
      tpu.wait_dma2 semaphore(%run_scoped3A_112 : memref<!tpu.dma_semaphore, #tpu.memory_space<semaphore_mem>>) src(%arg11 : memref<128x16xf32, #tpu.memory_space<vmem>>) dst(%dma_wait3A_120 : memref<128x16xf32, #tpu.memory_space<vmem_shared>>)
      tpu.yield
    }) : () -> ()
    %add3A_21 = arith.constant 256 : i32
    %add3A_22 = arith.addi %mul3A_12, %add3A_21 : i32
    %run_scoped3A_23 = arith.constant 0 : i32
    "tpu.region"() ({
      %run_scoped3A_112 = tpu.sem_alloc : memref<!tpu.dma_semaphore, #tpu.memory_space<semaphore_mem>>
      %dma_start3A_113 = arith.constant 0 : i32
      %dma_start3A_114 = arith.constant 0 : i32
      %dma_start3A_115 = tpu.memref_slice %arg9[%run_scoped3A_23, %dma_start3A_113, %dma_start3A_114] : memref<4x128x64xf32, #tpu.memory_space<vmem>> -> memref<1x128x64xf32, #tpu.memory_space<vmem>>
      %dma_start3A_116 = tpu.memref_squeeze %dma_start3A_115 : memref<1x128x64xf32, #tpu.memory_space<vmem>> -> memref<128x64xf32, #tpu.memory_space<vmem>>
      %dma_start3A_117 = arith.constant 0 : i32
      %dma_start3A_118 = tpu.memref_slice %arg12[%add3A_22, %dma_start3A_117] : memref<10112x64xf32, #tpu.memory_space<vmem_shared>> -> memref<128x64xf32, #tpu.memory_space<vmem_shared>>
      %dma_start3A_119 = arith.constant 0 : i32
      %dma_start3A_120 = tpu.memref_slice %arg12[%add3A_22, %dma_start3A_119] : memref<10112x64xf32, #tpu.memory_space<vmem_shared>> -> memref<128x64xf32, #tpu.memory_space<vmem_shared>>
      %dma_start3A_121 = arith.constant 0 : i32
      %dma_start3A_122 = arith.constant 0 : i32
      %dma_start3A_123 = tpu.memref_slice %arg9[%run_scoped3A_23, %dma_start3A_121, %dma_start3A_122] : memref<4x128x64xf32, #tpu.memory_space<vmem>> -> memref<1x128x64xf32, #tpu.memory_space<vmem>>
      %dma_start3A_124 = tpu.memref_squeeze %dma_start3A_123 : memref<1x128x64xf32, #tpu.memory_space<vmem>> -> memref<128x64xf32, #tpu.memory_space<vmem>>
      tpu.enqueue_dma source(%dma_start3A_124 : memref<128x64xf32, #tpu.memory_space<vmem>>) target(%dma_start3A_120 : memref<128x64xf32, #tpu.memory_space<vmem_shared>>) target_semaphore(%run_scoped3A_112 : memref<!tpu.dma_semaphore, #tpu.memory_space<semaphore_mem>>)
      %dma_wait3A_125 = arith.constant 0 : i32
      %dma_wait3A_126 = arith.constant 0 : i32
      %dma_wait3A_127 = tpu.memref_slice %arg9[%run_scoped3A_23, %dma_wait3A_125, %dma_wait3A_126] : memref<4x128x64xf32, #tpu.memory_space<vmem>> -> memref<1x128x64xf32, #tpu.memory_space<vmem>>
      %dma_wait3A_128 = tpu.memref_squeeze %dma_wait3A_127 : memref<1x128x64xf32, #tpu.memory_space<vmem>> -> memref<128x64xf32, #tpu.memory_space<vmem>>
      %dma_wait3A_129 = arith.constant 0 : i32
      %dma_wait3A_130 = tpu.memref_slice %arg12[%add3A_22, %dma_wait3A_129] : memref<10112x64xf32, #tpu.memory_space<vmem_shared>> -> memref<128x64xf32, #tpu.memory_space<vmem_shared>>
      %dma_wait3A_131 = arith.constant 0 : i32
      %dma_wait3A_132 = tpu.memref_slice %arg12[%add3A_22, %dma_wait3A_131] : memref<10112x64xf32, #tpu.memory_space<vmem_shared>> -> memref<128x64xf32, #tpu.memory_space<vmem_shared>>
      %dma_wait3A_133 = arith.constant 0 : i32
      %dma_wait3A_134 = arith.constant 0 : i32
      %dma_wait3A_135 = tpu.memref_slice %arg9[%run_scoped3A_23, %dma_wait3A_133, %dma_wait3A_134] : memref<4x128x64xf32, #tpu.memory_space<vmem>> -> memref<1x128x64xf32, #tpu.memory_space<vmem>>
      %dma_wait3A_136 = tpu.memref_squeeze %dma_wait3A_135 : memref<1x128x64xf32, #tpu.memory_space<vmem>> -> memref<128x64xf32, #tpu.memory_space<vmem>>
      tpu.wait_dma2 semaphore(%run_scoped3A_112 : memref<!tpu.dma_semaphore, #tpu.memory_space<semaphore_mem>>) src(%dma_wait3A_136 : memref<128x64xf32, #tpu.memory_space<vmem>>) dst(%dma_wait3A_132 : memref<128x64xf32, #tpu.memory_space<vmem_shared>>)
      tpu.yield
    }) : () -> ()
    %add3A_24 = arith.constant 256 : i32
    %add3A_25 = arith.addi %mul3A_12, %add3A_24 : i32
    "tpu.region"() ({
      %run_scoped3A_112 = tpu.sem_alloc : memref<!tpu.dma_semaphore, #tpu.memory_space<semaphore_mem>>
      %dma_start3A_113 = arith.constant 0 : i32
      %dma_start3A_114 = tpu.memref_slice %arg13[%add3A_25, %dma_start3A_113] : memref<10112x16xf32, #tpu.memory_space<vmem_shared>> -> memref<128x16xf32, #tpu.memory_space<vmem_shared>>
      %dma_start3A_115 = arith.constant 0 : i32
      %dma_start3A_116 = tpu.memref_slice %arg13[%add3A_25, %dma_start3A_115] : memref<10112x16xf32, #tpu.memory_space<vmem_shared>> -> memref<128x16xf32, #tpu.memory_space<vmem_shared>>
      tpu.enqueue_dma source(%arg11 : memref<128x16xf32, #tpu.memory_space<vmem>>) target(%dma_start3A_116 : memref<128x16xf32, #tpu.memory_space<vmem_shared>>) target_semaphore(%run_scoped3A_112 : memref<!tpu.dma_semaphore, #tpu.memory_space<semaphore_mem>>)
      %dma_wait3A_117 = arith.constant 0 : i32
      %dma_wait3A_118 = tpu.memref_slice %arg13[%add3A_25, %dma_wait3A_117] : memref<10112x16xf32, #tpu.memory_space<vmem_shared>> -> memref<128x16xf32, #tpu.memory_space<vmem_shared>>
      %dma_wait3A_119 = arith.constant 0 : i32
      %dma_wait3A_120 = tpu.memref_slice %arg13[%add3A_25, %dma_wait3A_119] : memref<10112x16xf32, #tpu.memory_space<vmem_shared>> -> memref<128x16xf32, #tpu.memory_space<vmem_shared>>
      tpu.wait_dma2 semaphore(%run_scoped3A_112 : memref<!tpu.dma_semaphore, #tpu.memory_space<semaphore_mem>>) src(%arg11 : memref<128x16xf32, #tpu.memory_space<vmem>>) dst(%dma_wait3A_120 : memref<128x16xf32, #tpu.memory_space<vmem_shared>>)
      tpu.yield
    }) : () -> ()
    %add3A_26 = arith.constant 384 : i32
    %add3A_27 = arith.addi %mul3A_12, %add3A_26 : i32
    %run_scoped3A_28 = arith.constant 0 : i32
    "tpu.region"() ({
      %run_scoped3A_112 = tpu.sem_alloc : memref<!tpu.dma_semaphore, #tpu.memory_space<semaphore_mem>>
      %dma_start3A_113 = arith.constant 0 : i32
      %dma_start3A_114 = arith.constant 0 : i32
      %dma_start3A_115 = tpu.memref_slice %arg9[%run_scoped3A_28, %dma_start3A_113, %dma_start3A_114] : memref<4x128x64xf32, #tpu.memory_space<vmem>> -> memref<1x128x64xf32, #tpu.memory_space<vmem>>
      %dma_start3A_116 = tpu.memref_squeeze %dma_start3A_115 : memref<1x128x64xf32, #tpu.memory_space<vmem>> -> memref<128x64xf32, #tpu.memory_space<vmem>>
      %dma_start3A_117 = arith.constant 0 : i32
      %dma_start3A_118 = tpu.memref_slice %arg12[%add3A_27, %dma_start3A_117] : memref<10112x64xf32, #tpu.memory_space<vmem_shared>> -> memref<128x64xf32, #tpu.memory_space<vmem_shared>>
      %dma_start3A_119 = arith.constant 0 : i32
      %dma_start3A_120 = tpu.memref_slice %arg12[%add3A_27, %dma_start3A_119] : memref<10112x64xf32, #tpu.memory_space<vmem_shared>> -> memref<128x64xf32, #tpu.memory_space<vmem_shared>>
      %dma_start3A_121 = arith.constant 0 : i32
      %dma_start3A_122 = arith.constant 0 : i32
      %dma_start3A_123 = tpu.memref_slice %arg9[%run_scoped3A_28, %dma_start3A_121, %dma_start3A_122] : memref<4x128x64xf32, #tpu.memory_space<vmem>> -> memref<1x128x64xf32, #tpu.memory_space<vmem>>
      %dma_start3A_124 = tpu.memref_squeeze %dma_start3A_123 : memref<1x128x64xf32, #tpu.memory_space<vmem>> -> memref<128x64xf32, #tpu.memory_space<vmem>>
      tpu.enqueue_dma source(%dma_start3A_124 : memref<128x64xf32, #tpu.memory_space<vmem>>) target(%dma_start3A_120 : memref<128x64xf32, #tpu.memory_space<vmem_shared>>) target_semaphore(%run_scoped3A_112 : memref<!tpu.dma_semaphore, #tpu.memory_space<semaphore_mem>>)
      %dma_wait3A_125 = arith.constant 0 : i32
      %dma_wait3A_126 = arith.constant 0 : i32
      %dma_wait3A_127 = tpu.memref_slice %arg9[%run_scoped3A_28, %dma_wait3A_125, %dma_wait3A_126] : memref<4x128x64xf32, #tpu.memory_space<vmem>> -> memref<1x128x64xf32, #tpu.memory_space<vmem>>
      %dma_wait3A_128 = tpu.memref_squeeze %dma_wait3A_127 : memref<1x128x64xf32, #tpu.memory_space<vmem>> -> memref<128x64xf32, #tpu.memory_space<vmem>>
      %dma_wait3A_129 = arith.constant 0 : i32
      %dma_wait3A_130 = tpu.memref_slice %arg12[%add3A_27, %dma_wait3A_129] : memref<10112x64xf32, #tpu.memory_space<vmem_shared>> -> memref<128x64xf32, #tpu.memory_space<vmem_shared>>
      %dma_wait3A_131 = arith.constant 0 : i32
      %dma_wait3A_132 = tpu.memref_slice %arg12[%add3A_27, %dma_wait3A_131] : memref<10112x64xf32, #tpu.memory_space<vmem_shared>> -> memref<128x64xf32, #tpu.memory_space<vmem_shared>>
      %dma_wait3A_133 = arith.constant 0 : i32
      %dma_wait3A_134 = arith.constant 0 : i32
      %dma_wait3A_135 = tpu.memref_slice %arg9[%run_scoped3A_28, %dma_wait3A_133, %dma_wait3A_134] : memref<4x128x64xf32, #tpu.memory_space<vmem>> -> memref<1x128x64xf32, #tpu.memory_space<vmem>>
      %dma_wait3A_136 = tpu.memref_squeeze %dma_wait3A_135 : memref<1x128x64xf32, #tpu.memory_space<vmem>> -> memref<128x64xf32, #tpu.memory_space<vmem>>
      tpu.wait_dma2 semaphore(%run_scoped3A_112 : memref<!tpu.dma_semaphore, #tpu.memory_space<semaphore_mem>>) src(%dma_wait3A_136 : memref<128x64xf32, #tpu.memory_space<vmem>>) dst(%dma_wait3A_132 : memref<128x64xf32, #tpu.memory_space<vmem_shared>>)
      tpu.yield
    }) : () -> ()
    %add3A_29 = arith.constant 384 : i32
    %add3A_30 = arith.addi %mul3A_12, %add3A_29 : i32
    "tpu.region"() ({
      %run_scoped3A_112 = tpu.sem_alloc : memref<!tpu.dma_semaphore, #tpu.memory_space<semaphore_mem>>
      %dma_start3A_113 = arith.constant 0 : i32
      %dma_start3A_114 = tpu.memref_slice %arg13[%add3A_30, %dma_start3A_113] : memref<10112x16xf32, #tpu.memory_space<vmem_shared>> -> memref<128x16xf32, #tpu.memory_space<vmem_shared>>
      %dma_start3A_115 = arith.constant 0 : i32
      %dma_start3A_116 = tpu.memref_slice %arg13[%add3A_30, %dma_start3A_115] : memref<10112x16xf32, #tpu.memory_space<vmem_shared>> -> memref<128x16xf32, #tpu.memory_space<vmem_shared>>
      tpu.enqueue_dma source(%arg11 : memref<128x16xf32, #tpu.memory_space<vmem>>) target(%dma_start3A_116 : memref<128x16xf32, #tpu.memory_space<vmem_shared>>) target_semaphore(%run_scoped3A_112 : memref<!tpu.dma_semaphore, #tpu.memory_space<semaphore_mem>>)
      %dma_wait3A_117 = arith.constant 0 : i32
      %dma_wait3A_118 = tpu.memref_slice %arg13[%add3A_30, %dma_wait3A_117] : memref<10112x16xf32, #tpu.memory_space<vmem_shared>> -> memref<128x16xf32, #tpu.memory_space<vmem_shared>>
      %dma_wait3A_119 = arith.constant 0 : i32
      %dma_wait3A_120 = tpu.memref_slice %arg13[%add3A_30, %dma_wait3A_119] : memref<10112x16xf32, #tpu.memory_space<vmem_shared>> -> memref<128x16xf32, #tpu.memory_space<vmem_shared>>
      tpu.wait_dma2 semaphore(%run_scoped3A_112 : memref<!tpu.dma_semaphore, #tpu.memory_space<semaphore_mem>>) src(%arg11 : memref<128x16xf32, #tpu.memory_space<vmem>>) dst(%dma_wait3A_120 : memref<128x16xf32, #tpu.memory_space<vmem_shared>>)
      tpu.yield
    }) : () -> ()
    %add3A_31 = arith.constant 512 : i32
    %add3A_32 = arith.addi %mul3A_12, %add3A_31 : i32
    %run_scoped3A_33 = arith.constant 0 : i32
    "tpu.region"() ({
      %run_scoped3A_112 = tpu.sem_alloc : memref<!tpu.dma_semaphore, #tpu.memory_space<semaphore_mem>>
      %dma_start3A_113 = arith.constant 0 : i32
      %dma_start3A_114 = arith.constant 0 : i32
      %dma_start3A_115 = tpu.memref_slice %arg9[%run_scoped3A_33, %dma_start3A_113, %dma_start3A_114] : memref<4x128x64xf32, #tpu.memory_space<vmem>> -> memref<1x128x64xf32, #tpu.memory_space<vmem>>
      %dma_start3A_116 = tpu.memref_squeeze %dma_start3A_115 : memref<1x128x64xf32, #tpu.memory_space<vmem>> -> memref<128x64xf32, #tpu.memory_space<vmem>>
      %dma_start3A_117 = arith.constant 0 : i32
      %dma_start3A_118 = arith.constant 0 : i32
      %dma_start3A_119 = tpu.memref_slice %dma_start3A_116[%dma_start3A_117, %dma_start3A_118] : memref<128x64xf32, #tpu.memory_space<vmem>> -> memref<120x64xf32, #tpu.memory_space<vmem>>
      %dma_start3A_120 = arith.constant 0 : i32
      %dma_start3A_121 = tpu.memref_slice %arg12[%add3A_32, %dma_start3A_120] : memref<10112x64xf32, #tpu.memory_space<vmem_shared>> -> memref<120x64xf32, #tpu.memory_space<vmem_shared>>
      %dma_start3A_122 = arith.constant 0 : i32
      %dma_start3A_123 = tpu.memref_slice %arg12[%add3A_32, %dma_start3A_122] : memref<10112x64xf32, #tpu.memory_space<vmem_shared>> -> memref<120x64xf32, #tpu.memory_space<vmem_shared>>
      %dma_start3A_124 = arith.constant 0 : i32
      %dma_start3A_125 = arith.constant 0 : i32
      %dma_start3A_126 = tpu.memref_slice %arg9[%run_scoped3A_33, %dma_start3A_124, %dma_start3A_125] : memref<4x128x64xf32, #tpu.memory_space<vmem>> -> memref<1x128x64xf32, #tpu.memory_space<vmem>>
      %dma_start3A_127 = tpu.memref_squeeze %dma_start3A_126 : memref<1x128x64xf32, #tpu.memory_space<vmem>> -> memref<128x64xf32, #tpu.memory_space<vmem>>
      %dma_start3A_128 = arith.constant 0 : i32
      %dma_start3A_129 = arith.constant 0 : i32
      %dma_start3A_130 = tpu.memref_slice %dma_start3A_127[%dma_start3A_128, %dma_start3A_129] : memref<128x64xf32, #tpu.memory_space<vmem>> -> memref<120x64xf32, #tpu.memory_space<vmem>>
      tpu.enqueue_dma source(%dma_start3A_130 : memref<120x64xf32, #tpu.memory_space<vmem>>) target(%dma_start3A_123 : memref<120x64xf32, #tpu.memory_space<vmem_shared>>) target_semaphore(%run_scoped3A_112 : memref<!tpu.dma_semaphore, #tpu.memory_space<semaphore_mem>>)
      %dma_wait3A_131 = arith.constant 0 : i32
      %dma_wait3A_132 = arith.constant 0 : i32
      %dma_wait3A_133 = tpu.memref_slice %arg9[%run_scoped3A_33, %dma_wait3A_131, %dma_wait3A_132] : memref<4x128x64xf32, #tpu.memory_space<vmem>> -> memref<1x128x64xf32, #tpu.memory_space<vmem>>
      %dma_wait3A_134 = tpu.memref_squeeze %dma_wait3A_133 : memref<1x128x64xf32, #tpu.memory_space<vmem>> -> memref<128x64xf32, #tpu.memory_space<vmem>>
      %dma_wait3A_135 = arith.constant 0 : i32
      %dma_wait3A_136 = arith.constant 0 : i32
      %dma_wait3A_137 = tpu.memref_slice %dma_wait3A_134[%dma_wait3A_135, %dma_wait3A_136] : memref<128x64xf32, #tpu.memory_space<vmem>> -> memref<120x64xf32, #tpu.memory_space<vmem>>
      %dma_wait3A_138 = arith.constant 0 : i32
      %dma_wait3A_139 = tpu.memref_slice %arg12[%add3A_32, %dma_wait3A_138] : memref<10112x64xf32, #tpu.memory_space<vmem_shared>> -> memref<120x64xf32, #tpu.memory_space<vmem_shared>>
      %dma_wait3A_140 = arith.constant 0 : i32
      %dma_wait3A_141 = tpu.memref_slice %arg12[%add3A_32, %dma_wait3A_140] : memref<10112x64xf32, #tpu.memory_space<vmem_shared>> -> memref<120x64xf32, #tpu.memory_space<vmem_shared>>
      %dma_wait3A_142 = arith.constant 0 : i32
      %dma_wait3A_143 = arith.constant 0 : i32
      %dma_wait3A_144 = tpu.memref_slice %arg9[%run_scoped3A_33, %dma_wait3A_142, %dma_wait3A_143] : memref<4x128x64xf32, #tpu.memory_space<vmem>> -> memref<1x128x64xf32, #tpu.memory_space<vmem>>
      %dma_wait3A_145 = tpu.memref_squeeze %dma_wait3A_144 : memref<1x128x64xf32, #tpu.memory_space<vmem>> -> memref<128x64xf32, #tpu.memory_space<vmem>>
      %dma_wait3A_146 = arith.constant 0 : i32
      %dma_wait3A_147 = arith.constant 0 : i32
      %dma_wait3A_148 = tpu.memref_slice %dma_wait3A_145[%dma_wait3A_146, %dma_wait3A_147] : memref<128x64xf32, #tpu.memory_space<vmem>> -> memref<120x64xf32, #tpu.memory_space<vmem>>
      tpu.wait_dma2 semaphore(%run_scoped3A_112 : memref<!tpu.dma_semaphore, #tpu.memory_space<semaphore_mem>>) src(%dma_wait3A_148 : memref<120x64xf32, #tpu.memory_space<vmem>>) dst(%dma_wait3A_141 : memref<120x64xf32, #tpu.memory_space<vmem_shared>>)
      tpu.yield
    }) : () -> ()
    %add3A_34 = arith.constant 512 : i32
    %add3A_35 = arith.addi %mul3A_12, %add3A_34 : i32
    "tpu.region"() ({
      %run_scoped3A_112 = tpu.sem_alloc : memref<!tpu.dma_semaphore, #tpu.memory_space<semaphore_mem>>
      %dma_start3A_113 = arith.constant 0 : i32
      %dma_start3A_114 = arith.constant 0 : i32
      %dma_start3A_115 = tpu.memref_slice %arg11[%dma_start3A_113, %dma_start3A_114] : memref<128x16xf32, #tpu.memory_space<vmem>> -> memref<120x16xf32, #tpu.memory_space<vmem>>
      %dma_start3A_116 = arith.constant 0 : i32
      %dma_start3A_117 = tpu.memref_slice %arg13[%add3A_35, %dma_start3A_116] : memref<10112x16xf32, #tpu.memory_space<vmem_shared>> -> memref<120x16xf32, #tpu.memory_space<vmem_shared>>
      %dma_start3A_118 = arith.constant 0 : i32
      %dma_start3A_119 = tpu.memref_slice %arg13[%add3A_35, %dma_start3A_118] : memref<10112x16xf32, #tpu.memory_space<vmem_shared>> -> memref<120x16xf32, #tpu.memory_space<vmem_shared>>
      %dma_start3A_120 = arith.constant 0 : i32
      %dma_start3A_121 = arith.constant 0 : i32
      %dma_start3A_122 = tpu.memref_slice %arg11[%dma_start3A_120, %dma_start3A_121] : memref<128x16xf32, #tpu.memory_space<vmem>> -> memref<120x16xf32, #tpu.memory_space<vmem>>
      tpu.enqueue_dma source(%dma_start3A_122 : memref<120x16xf32, #tpu.memory_space<vmem>>) target(%dma_start3A_119 : memref<120x16xf32, #tpu.memory_space<vmem_shared>>) target_semaphore(%run_scoped3A_112 : memref<!tpu.dma_semaphore, #tpu.memory_space<semaphore_mem>>)
      %dma_wait3A_123 = arith.constant 0 : i32
      %dma_wait3A_124 = arith.constant 0 : i32
      %dma_wait3A_125 = tpu.memref_slice %arg11[%dma_wait3A_123, %dma_wait3A_124] : memref<128x16xf32, #tpu.memory_space<vmem>> -> memref<120x16xf32, #tpu.memory_space<vmem>>
      %dma_wait3A_126 = arith.constant 0 : i32
      %dma_wait3A_127 = tpu.memref_slice %arg13[%add3A_35, %dma_wait3A_126] : memref<10112x16xf32, #tpu.memory_space<vmem_shared>> -> memref<120x16xf32, #tpu.memory_space<vmem_shared>>
      %dma_wait3A_128 = arith.constant 0 : i32
      %dma_wait3A_129 = tpu.memref_slice %arg13[%add3A_35, %dma_wait3A_128] : memref<10112x16xf32, #tpu.memory_space<vmem_shared>> -> memref<120x16xf32, #tpu.memory_space<vmem_shared>>
      %dma_wait3A_130 = arith.constant 0 : i32
      %dma_wait3A_131 = arith.constant 0 : i32
      %dma_wait3A_132 = tpu.memref_slice %arg11[%dma_wait3A_130, %dma_wait3A_131] : memref<128x16xf32, #tpu.memory_space<vmem>> -> memref<120x16xf32, #tpu.memory_space<vmem>>
      tpu.wait_dma2 semaphore(%run_scoped3A_112 : memref<!tpu.dma_semaphore, #tpu.memory_space<semaphore_mem>>) src(%dma_wait3A_132 : memref<120x16xf32, #tpu.memory_space<vmem>>) dst(%dma_wait3A_129 : memref<120x16xf32, #tpu.memory_space<vmem_shared>>)
      tpu.yield
    }) : () -> ()
    "tpu.region"() ({
      %run_scoped3A_112 = tpu.sem_alloc : memref<!tpu.dma_semaphore, #tpu.memory_space<semaphore_mem>>
      %dma_start3A_113 = arith.constant 0 : i32
      %dma_start3A_114 = arith.constant 0 : i32
      %dma_start3A_115 = arith.constant 0 : i32
      %dma_start3A_116 = tpu.memref_slice %arg3[%arg0, %dma_start3A_113, %dma_start3A_114, %dma_start3A_115] : memref<2x16x157x128xi32, #tpu.memory_space<hbm>> -> memref<1x16x157x128xi32, #tpu.memory_space<hbm>>
      %dma_start3A_117 = tpu.memref_squeeze %dma_start3A_116 : memref<1x16x157x128xi32, #tpu.memory_space<hbm>> -> memref<16x157x128xi32, #tpu.memory_space<hbm>>
      %dma_start3A_118 = arith.constant 0 : i32
      %dma_start3A_119 = arith.constant 0 : i32
      %dma_start3A_120 = tpu.memref_slice %dma_start3A_117[%arg1, %dma_start3A_118, %dma_start3A_119] : memref<16x157x128xi32, #tpu.memory_space<hbm>> -> memref<1x157x128xi32, #tpu.memory_space<hbm>>
      %dma_start3A_121 = tpu.memref_squeeze %dma_start3A_120 : memref<1x157x128xi32, #tpu.memory_space<hbm>> -> memref<157x128xi32, #tpu.memory_space<hbm>>
      %dma_start3A_122 = arith.constant 0 : i32
      %dma_start3A_123 = arith.constant 0 : i32
      %dma_start3A_124 = arith.constant 0 : i32
      %dma_start3A_125 = tpu.memref_slice %arg3[%arg0, %dma_start3A_122, %dma_start3A_123, %dma_start3A_124] : memref<2x16x157x128xi32, #tpu.memory_space<hbm>> -> memref<1x16x157x128xi32, #tpu.memory_space<hbm>>
      %dma_start3A_126 = tpu.memref_squeeze %dma_start3A_125 : memref<1x16x157x128xi32, #tpu.memory_space<hbm>> -> memref<16x157x128xi32, #tpu.memory_space<hbm>>
      %dma_start3A_127 = arith.constant 0 : i32
      %dma_start3A_128 = arith.constant 0 : i32
      %dma_start3A_129 = tpu.memref_slice %dma_start3A_126[%arg1, %dma_start3A_127, %dma_start3A_128] : memref<16x157x128xi32, #tpu.memory_space<hbm>> -> memref<1x157x128xi32, #tpu.memory_space<hbm>>
      %dma_start3A_130 = tpu.memref_squeeze %dma_start3A_129 : memref<1x157x128xi32, #tpu.memory_space<hbm>> -> memref<157x128xi32, #tpu.memory_space<hbm>>
      tpu.enqueue_dma source(%dma_start3A_130 : memref<157x128xi32, #tpu.memory_space<hbm>>) target(%arg7 : memref<157x128xi32, #tpu.memory_space<vmem>>) target_semaphore(%run_scoped3A_112 : memref<!tpu.dma_semaphore, #tpu.memory_space<semaphore_mem>>)
      %dma_wait3A_131 = arith.constant 0 : i32
      %dma_wait3A_132 = arith.constant 0 : i32
      %dma_wait3A_133 = arith.constant 0 : i32
      %dma_wait3A_134 = tpu.memref_slice %arg3[%arg0, %dma_wait3A_131, %dma_wait3A_132, %dma_wait3A_133] : memref<2x16x157x128xi32, #tpu.memory_space<hbm>> -> memref<1x16x157x128xi32, #tpu.memory_space<hbm>>
      %dma_wait3A_135 = tpu.memref_squeeze %dma_wait3A_134 : memref<1x16x157x128xi32, #tpu.memory_space<hbm>> -> memref<16x157x128xi32, #tpu.memory_space<hbm>>
      %dma_wait3A_136 = arith.constant 0 : i32
      %dma_wait3A_137 = arith.constant 0 : i32
      %dma_wait3A_138 = tpu.memref_slice %dma_wait3A_135[%arg1, %dma_wait3A_136, %dma_wait3A_137] : memref<16x157x128xi32, #tpu.memory_space<hbm>> -> memref<1x157x128xi32, #tpu.memory_space<hbm>>
      %dma_wait3A_139 = tpu.memref_squeeze %dma_wait3A_138 : memref<1x157x128xi32, #tpu.memory_space<hbm>> -> memref<157x128xi32, #tpu.memory_space<hbm>>
      %dma_wait3A_140 = arith.constant 0 : i32
      %dma_wait3A_141 = arith.constant 0 : i32
      %dma_wait3A_142 = arith.constant 0 : i32
      %dma_wait3A_143 = tpu.memref_slice %arg3[%arg0, %dma_wait3A_140, %dma_wait3A_141, %dma_wait3A_142] : memref<2x16x157x128xi32, #tpu.memory_space<hbm>> -> memref<1x16x157x128xi32, #tpu.memory_space<hbm>>
      %dma_wait3A_144 = tpu.memref_squeeze %dma_wait3A_143 : memref<1x16x157x128xi32, #tpu.memory_space<hbm>> -> memref<16x157x128xi32, #tpu.memory_space<hbm>>
      %dma_wait3A_145 = arith.constant 0 : i32
      %dma_wait3A_146 = arith.constant 0 : i32
      %dma_wait3A_147 = tpu.memref_slice %dma_wait3A_144[%arg1, %dma_wait3A_145, %dma_wait3A_146] : memref<16x157x128xi32, #tpu.memory_space<hbm>> -> memref<1x157x128xi32, #tpu.memory_space<hbm>>
      %dma_wait3A_148 = tpu.memref_squeeze %dma_wait3A_147 : memref<1x157x128xi32, #tpu.memory_space<hbm>> -> memref<157x128xi32, #tpu.memory_space<hbm>>
      tpu.wait_dma2 semaphore(%run_scoped3A_112 : memref<!tpu.dma_semaphore, #tpu.memory_space<semaphore_mem>>) src(%dma_wait3A_148 : memref<157x128xi32, #tpu.memory_space<hbm>>) dst(%arg7 : memref<157x128xi32, #tpu.memory_space<vmem>>)
      tpu.yield
    }) : () -> ()
    "tpu.region"() ({
      %run_scoped3A_112 = tpu.sem_alloc : memref<!tpu.dma_semaphore, #tpu.memory_space<semaphore_mem>>
      %dma_start3A_113 = arith.constant 0 : i32
      %dma_start3A_114 = arith.constant 0 : i32
      %dma_start3A_115 = tpu.memref_slice %arg4[%arg1, %dma_start3A_113, %dma_start3A_114] : memref<16x157x128xi32, #tpu.memory_space<hbm>> -> memref<1x157x128xi32, #tpu.memory_space<hbm>>
      %dma_start3A_116 = tpu.memref_squeeze %dma_start3A_115 : memref<1x157x128xi32, #tpu.memory_space<hbm>> -> memref<157x128xi32, #tpu.memory_space<hbm>>
      %dma_start3A_117 = arith.constant 0 : i32
      %dma_start3A_118 = arith.constant 0 : i32
      %dma_start3A_119 = tpu.memref_slice %arg4[%arg1, %dma_start3A_117, %dma_start3A_118] : memref<16x157x128xi32, #tpu.memory_space<hbm>> -> memref<1x157x128xi32, #tpu.memory_space<hbm>>
      %dma_start3A_120 = tpu.memref_squeeze %dma_start3A_119 : memref<1x157x128xi32, #tpu.memory_space<hbm>> -> memref<157x128xi32, #tpu.memory_space<hbm>>
      tpu.enqueue_dma source(%dma_start3A_120 : memref<157x128xi32, #tpu.memory_space<hbm>>) target(%arg8 : memref<157x128xi32, #tpu.memory_space<vmem>>) target_semaphore(%run_scoped3A_112 : memref<!tpu.dma_semaphore, #tpu.memory_space<semaphore_mem>>)
      %dma_wait3A_121 = arith.constant 0 : i32
      %dma_wait3A_122 = arith.constant 0 : i32
      %dma_wait3A_123 = tpu.memref_slice %arg4[%arg1, %dma_wait3A_121, %dma_wait3A_122] : memref<16x157x128xi32, #tpu.memory_space<hbm>> -> memref<1x157x128xi32, #tpu.memory_space<hbm>>
      %dma_wait3A_124 = tpu.memref_squeeze %dma_wait3A_123 : memref<1x157x128xi32, #tpu.memory_space<hbm>> -> memref<157x128xi32, #tpu.memory_space<hbm>>
      %dma_wait3A_125 = arith.constant 0 : i32
      %dma_wait3A_126 = arith.constant 0 : i32
      %dma_wait3A_127 = tpu.memref_slice %arg4[%arg1, %dma_wait3A_125, %dma_wait3A_126] : memref<16x157x128xi32, #tpu.memory_space<hbm>> -> memref<1x157x128xi32, #tpu.memory_space<hbm>>
      %dma_wait3A_128 = tpu.memref_squeeze %dma_wait3A_127 : memref<1x157x128xi32, #tpu.memory_space<hbm>> -> memref<157x128xi32, #tpu.memory_space<hbm>>
      tpu.wait_dma2 semaphore(%run_scoped3A_112 : memref<!tpu.dma_semaphore, #tpu.memory_space<semaphore_mem>>) src(%dma_wait3A_128 : memref<157x128xi32, #tpu.memory_space<hbm>>) dst(%arg8 : memref<157x128xi32, #tpu.memory_space<vmem>>)
      tpu.yield
    }) : () -> ()
    %barrier3A = arith.constant 0 : index
    tpu.barrier barrier_id(%barrier3A)
    %dma_start3A = arith.constant 0 : i32
    %dma_start3A_36 = arith.constant 0 : i32
    %dma_start3A_37 = arith.constant 0 : i32
    %dma_start3A_38 = arith.constant 0 : i32
    %dma_start3A_39 = tpu.memref_slice %arg9[%dma_start3A_36, %dma_start3A_37, %dma_start3A_38] : memref<4x128x64xf32, #tpu.memory_space<vmem>> -> memref<1x128x64xf32, #tpu.memory_space<vmem>>
    %dma_start3A_40 = tpu.memref_squeeze %dma_start3A_39 : memref<1x128x64xf32, #tpu.memory_space<vmem>> -> memref<128x64xf32, #tpu.memory_space<vmem>>
    %dma_start3A_41 = arith.constant 0 : i32
    %dma_start3A_42 = tpu.memref_slice %arg7[%dma_start3A, %dma_start3A_41] : memref<157x128xi32, #tpu.memory_space<vmem>> -> memref<1x128xi32, #tpu.memory_space<vmem>>
    %dma_start3A_43 = tpu.memref_squeeze %dma_start3A_42 : memref<1x128xi32, #tpu.memory_space<vmem>> -> memref<128xi32, #tpu.memory_space<vmem>>
    %dma_start3A_44 = arith.constant 0 : i32
    %dma_start3A_45 = arith.constant 0 : i32
    %dma_start3A_46 = tpu.memref_slice %arg2[%dma_start3A_44, %dma_start3A_45] : memref<20000x64xf32, #tpu.memory_space<hbm>> -> memref<20000x64xf32, #tpu.memory_space<hbm>>
    tpu.enqueue_indirect_dma source(%dma_start3A_46 : memref<20000x64xf32, #tpu.memory_space<hbm>>) target(%dma_start3A_40 : memref<128x64xf32, #tpu.memory_space<vmem>>) offsets(%dma_start3A_43 : memref<128xi32, #tpu.memory_space<vmem>>) semaphore(%arg14 : memref<!tpu.dma_semaphore, #tpu.memory_space<semaphore_mem>>)
    %dma_start3A_47 = arith.constant 1 : i32
    %dma_start3A_48 = arith.constant 1 : i32
    %dma_start3A_49 = arith.constant 0 : i32
    %dma_start3A_50 = arith.constant 0 : i32
    %dma_start3A_51 = tpu.memref_slice %arg9[%dma_start3A_48, %dma_start3A_49, %dma_start3A_50] : memref<4x128x64xf32, #tpu.memory_space<vmem>> -> memref<1x128x64xf32, #tpu.memory_space<vmem>>
    %dma_start3A_52 = tpu.memref_squeeze %dma_start3A_51 : memref<1x128x64xf32, #tpu.memory_space<vmem>> -> memref<128x64xf32, #tpu.memory_space<vmem>>
    %dma_start3A_53 = arith.constant 0 : i32
    %dma_start3A_54 = tpu.memref_slice %arg7[%dma_start3A_47, %dma_start3A_53] : memref<157x128xi32, #tpu.memory_space<vmem>> -> memref<1x128xi32, #tpu.memory_space<vmem>>
    %dma_start3A_55 = tpu.memref_squeeze %dma_start3A_54 : memref<1x128xi32, #tpu.memory_space<vmem>> -> memref<128xi32, #tpu.memory_space<vmem>>
    %dma_start3A_56 = arith.constant 0 : i32
    %dma_start3A_57 = arith.constant 0 : i32
    %dma_start3A_58 = tpu.memref_slice %arg2[%dma_start3A_56, %dma_start3A_57] : memref<20000x64xf32, #tpu.memory_space<hbm>> -> memref<20000x64xf32, #tpu.memory_space<hbm>>
    tpu.enqueue_indirect_dma source(%dma_start3A_58 : memref<20000x64xf32, #tpu.memory_space<hbm>>) target(%dma_start3A_52 : memref<128x64xf32, #tpu.memory_space<vmem>>) offsets(%dma_start3A_55 : memref<128xi32, #tpu.memory_space<vmem>>) semaphore(%arg15 : memref<!tpu.dma_semaphore, #tpu.memory_space<semaphore_mem>>)
    %dma_start3A_59 = arith.constant 2 : i32
    %dma_start3A_60 = arith.constant 2 : i32
    %dma_start3A_61 = arith.constant 0 : i32
    %dma_start3A_62 = arith.constant 0 : i32
    %dma_start3A_63 = tpu.memref_slice %arg9[%dma_start3A_60, %dma_start3A_61, %dma_start3A_62] : memref<4x128x64xf32, #tpu.memory_space<vmem>> -> memref<1x128x64xf32, #tpu.memory_space<vmem>>
    %dma_start3A_64 = tpu.memref_squeeze %dma_start3A_63 : memref<1x128x64xf32, #tpu.memory_space<vmem>> -> memref<128x64xf32, #tpu.memory_space<vmem>>
    %dma_start3A_65 = arith.constant 0 : i32
    %dma_start3A_66 = tpu.memref_slice %arg7[%dma_start3A_59, %dma_start3A_65] : memref<157x128xi32, #tpu.memory_space<vmem>> -> memref<1x128xi32, #tpu.memory_space<vmem>>
    %dma_start3A_67 = tpu.memref_squeeze %dma_start3A_66 : memref<1x128xi32, #tpu.memory_space<vmem>> -> memref<128xi32, #tpu.memory_space<vmem>>
    %dma_start3A_68 = arith.constant 0 : i32
    %dma_start3A_69 = arith.constant 0 : i32
    %dma_start3A_70 = tpu.memref_slice %arg2[%dma_start3A_68, %dma_start3A_69] : memref<20000x64xf32, #tpu.memory_space<hbm>> -> memref<20000x64xf32, #tpu.memory_space<hbm>>
    tpu.enqueue_indirect_dma source(%dma_start3A_70 : memref<20000x64xf32, #tpu.memory_space<hbm>>) target(%dma_start3A_64 : memref<128x64xf32, #tpu.memory_space<vmem>>) offsets(%dma_start3A_67 : memref<128xi32, #tpu.memory_space<vmem>>) semaphore(%arg16 : memref<!tpu.dma_semaphore, #tpu.memory_space<semaphore_mem>>)
    %dma_start3A_71 = arith.constant 3 : i32
    %dma_start3A_72 = arith.constant 3 : i32
    %dma_start3A_73 = arith.constant 0 : i32
    %dma_start3A_74 = arith.constant 0 : i32
    %dma_start3A_75 = tpu.memref_slice %arg9[%dma_start3A_72, %dma_start3A_73, %dma_start3A_74] : memref<4x128x64xf32, #tpu.memory_space<vmem>> -> memref<1x128x64xf32, #tpu.memory_space<vmem>>
    %dma_start3A_76 = tpu.memref_squeeze %dma_start3A_75 : memref<1x128x64xf32, #tpu.memory_space<vmem>> -> memref<128x64xf32, #tpu.memory_space<vmem>>
    %dma_start3A_77 = arith.constant 0 : i32
    %dma_start3A_78 = tpu.memref_slice %arg7[%dma_start3A_71, %dma_start3A_77] : memref<157x128xi32, #tpu.memory_space<vmem>> -> memref<1x128xi32, #tpu.memory_space<vmem>>
    %dma_start3A_79 = tpu.memref_squeeze %dma_start3A_78 : memref<1x128xi32, #tpu.memory_space<vmem>> -> memref<128xi32, #tpu.memory_space<vmem>>
    %dma_start3A_80 = arith.constant 0 : i32
    %dma_start3A_81 = arith.constant 0 : i32
    %dma_start3A_82 = tpu.memref_slice %arg2[%dma_start3A_80, %dma_start3A_81] : memref<20000x64xf32, #tpu.memory_space<hbm>> -> memref<20000x64xf32, #tpu.memory_space<hbm>>
    tpu.enqueue_indirect_dma source(%dma_start3A_82 : memref<20000x64xf32, #tpu.memory_space<hbm>>) target(%dma_start3A_76 : memref<128x64xf32, #tpu.memory_space<vmem>>) offsets(%dma_start3A_79 : memref<128xi32, #tpu.memory_space<vmem>>) semaphore(%arg17 : memref<!tpu.dma_semaphore, #tpu.memory_space<semaphore_mem>>)
    %scan3A_83 = arith.constant 0 : i32
    %scan3A_84 = arith.constant 0 : i32
    %scan3A_85 = arith.constant 39 : i32
    %scan3A_86 = arith.addi %scan3A_84, %scan3A_85 : i32
    %scan3A_87 = arith.constant 1 : i32
    %scan3A_88 = scf.for %scan3A_112 = %scan3A_84 to %scan3A_86 step %scan3A_87 iter_args(%scan3A_113 = %scan3A_83) -> (i32)  : i32 {
      %mul3A_114 = arith.constant 4 : i32
      %mul3A_115 = arith.muli %scan3A_112, %mul3A_114 : i32
      %add3A_116 = arith.constant 0 : i32
      %add3A_117 = arith.addi %mul3A_115, %add3A_116 : i32
      %dma_wait3A_118 = arith.constant 0 : i32
      %dma_wait3A_119 = arith.constant 0 : i32
      %dma_wait3A_120 = arith.constant 0 : i32
      %dma_wait3A_121 = tpu.memref_slice %arg9[%dma_wait3A_118, %dma_wait3A_119, %dma_wait3A_120] : memref<4x128x64xf32, #tpu.memory_space<vmem>> -> memref<1x128x64xf32, #tpu.memory_space<vmem>>
      %dma_wait3A_122 = tpu.memref_squeeze %dma_wait3A_121 : memref<1x128x64xf32, #tpu.memory_space<vmem>> -> memref<128x64xf32, #tpu.memory_space<vmem>>
      %dma_wait3A_123 = arith.constant 0 : i32
      %dma_wait3A_124 = tpu.memref_slice %arg7[%add3A_117, %dma_wait3A_123] : memref<157x128xi32, #tpu.memory_space<vmem>> -> memref<1x128xi32, #tpu.memory_space<vmem>>
      %dma_wait3A_125 = tpu.memref_squeeze %dma_wait3A_124 : memref<1x128xi32, #tpu.memory_space<vmem>> -> memref<128xi32, #tpu.memory_space<vmem>>
      %dma_wait3A_126 = arith.constant 0 : i32
      %dma_wait3A_127 = arith.constant 0 : i32
      %dma_wait3A_128 = tpu.memref_slice %arg2[%dma_wait3A_126, %dma_wait3A_127] : memref<20000x64xf32, #tpu.memory_space<hbm>> -> memref<20000x64xf32, #tpu.memory_space<hbm>>
      tpu.wait_indirect_dma semaphore(%arg14 : memref<!tpu.dma_semaphore, #tpu.memory_space<semaphore_mem>>) src(%dma_wait3A_128 : memref<20000x64xf32, #tpu.memory_space<hbm>>) dst(%dma_wait3A_122 : memref<128x64xf32, #tpu.memory_space<vmem>>)
      %jit3A_129 = arith.constant 2 : i32
      %eq3A_130 = arith.constant 0 : i32
      %eq3A_131 = arith.cmpi eq, %jit3A_129, %eq3A_130 : i32
      %jit3A_132 = arith.constant 1 : i32
      %select_n3A_133 = arith.select %eq3A_131, %jit3A_132, %jit3A_129 : i32
      %rem3A = arith.remsi %add3A_117, %select_n3A_133 : i32
      %ne3A = arith.constant 0 : i32
      %ne3A_134 = arith.cmpi ne, %rem3A, %ne3A : i32
      %lt3A = arith.constant 0 : i32
      %lt3A_135 = arith.cmpi slt, %rem3A, %lt3A : i32
      %lt3A_136 = arith.constant 0 : i32
      %lt3A_137 = arith.cmpi slt, %select_n3A_133, %lt3A_136 : i32
      %ne3A_138 = arith.xori %lt3A_135, %lt3A_137 : i1
      %and3A = arith.andi %ne3A_138, %ne3A_134 : i1
      %add3A_139 = arith.addi %rem3A, %select_n3A_133 : i32
      %select_n3A_140 = arith.select %and3A, %add3A_139, %rem3A : i32
      %eq3A_141 = arith.cmpi eq, %arg0, %select_n3A_140 : i32
      %convert_element_type3A_142 = arith.extui %eq3A_141 : i1 to i32
      %cond3A_143 = arith.constant 0 : i32
      %cond3A_144 = arith.cmpi ne, %convert_element_type3A_142, %cond3A_143 : i32
      scf.if %cond3A_144 {
        %dma_start3A_357 = arith.constant 0 : i32
        %dma_start3A_358 = tpu.memref_slice %arg8[%add3A_117, %dma_start3A_357] : memref<157x128xi32, #tpu.memory_space<vmem>> -> memref<1x128xi32, #tpu.memory_space<vmem>>
        %dma_start3A_359 = tpu.memref_squeeze %dma_start3A_358 : memref<1x128xi32, #tpu.memory_space<vmem>> -> memref<128xi32, #tpu.memory_space<vmem>>
        %dma_start3A_360 = arith.constant 0 : i32
        %dma_start3A_361 = arith.constant 0 : i32
        %dma_start3A_362 = tpu.memref_slice %arg13[%dma_start3A_360, %dma_start3A_361] : memref<10112x16xf32, #tpu.memory_space<vmem_shared>> -> memref<10112x16xf32, #tpu.memory_space<vmem_shared>>
        tpu.enqueue_indirect_dma source(%arg10 : memref<128x16xf32, #tpu.memory_space<vmem>>) target(%dma_start3A_362 : memref<10112x16xf32, #tpu.memory_space<vmem_shared>>) offsets(%dma_start3A_359 : memref<128xi32, #tpu.memory_space<vmem>>) semaphore(%arg18 : memref<!tpu.dma_semaphore, #tpu.memory_space<semaphore_mem>>) {add = true}
      } else {
      }
      %run_scoped3A_145 = arith.constant 0 : i32
      "tpu.region"() ({
        %run_scoped3A_357 = tpu.sem_alloc : memref<!tpu.dma_semaphore, #tpu.memory_space<semaphore_mem>>
        %dma_start3A_358 = arith.constant 0 : i32
        %dma_start3A_359 = arith.constant 0 : i32
        %dma_start3A_360 = tpu.memref_slice %arg9[%run_scoped3A_145, %dma_start3A_358, %dma_start3A_359] : memref<4x128x64xf32, #tpu.memory_space<vmem>> -> memref<1x128x64xf32, #tpu.memory_space<vmem>>
        %dma_start3A_361 = tpu.memref_squeeze %dma_start3A_360 : memref<1x128x64xf32, #tpu.memory_space<vmem>> -> memref<128x64xf32, #tpu.memory_space<vmem>>
        %dma_start3A_362 = arith.constant 0 : i32
        %dma_start3A_363 = tpu.memref_slice %arg8[%add3A_117, %dma_start3A_362] : memref<157x128xi32, #tpu.memory_space<vmem>> -> memref<1x128xi32, #tpu.memory_space<vmem>>
        %dma_start3A_364 = tpu.memref_squeeze %dma_start3A_363 : memref<1x128xi32, #tpu.memory_space<vmem>> -> memref<128xi32, #tpu.memory_space<vmem>>
        %dma_start3A_365 = arith.constant 0 : i32
        %dma_start3A_366 = arith.constant 0 : i32
        %dma_start3A_367 = tpu.memref_slice %arg12[%dma_start3A_365, %dma_start3A_366] : memref<10112x64xf32, #tpu.memory_space<vmem_shared>> -> memref<10112x64xf32, #tpu.memory_space<vmem_shared>>
        tpu.enqueue_indirect_dma source(%dma_start3A_361 : memref<128x64xf32, #tpu.memory_space<vmem>>) target(%dma_start3A_367 : memref<10112x64xf32, #tpu.memory_space<vmem_shared>>) offsets(%dma_start3A_364 : memref<128xi32, #tpu.memory_space<vmem>>) semaphore(%run_scoped3A_357 : memref<!tpu.dma_semaphore, #tpu.memory_space<semaphore_mem>>) {add = true}
        %dma_wait3A_368 = arith.constant 0 : i32
        %dma_wait3A_369 = arith.constant 0 : i32
        %dma_wait3A_370 = tpu.memref_slice %arg9[%run_scoped3A_145, %dma_wait3A_368, %dma_wait3A_369] : memref<4x128x64xf32, #tpu.memory_space<vmem>> -> memref<1x128x64xf32, #tpu.memory_space<vmem>>
        %dma_wait3A_371 = tpu.memref_squeeze %dma_wait3A_370 : memref<1x128x64xf32, #tpu.memory_space<vmem>> -> memref<128x64xf32, #tpu.memory_space<vmem>>
        %dma_wait3A_372 = arith.constant 0 : i32
        %dma_wait3A_373 = tpu.memref_slice %arg8[%add3A_117, %dma_wait3A_372] : memref<157x128xi32, #tpu.memory_space<vmem>> -> memref<1x128xi32, #tpu.memory_space<vmem>>
        %dma_wait3A_374 = tpu.memref_squeeze %dma_wait3A_373 : memref<1x128xi32, #tpu.memory_space<vmem>> -> memref<128xi32, #tpu.memory_space<vmem>>
        %dma_wait3A_375 = arith.constant 0 : i32
        %dma_wait3A_376 = arith.constant 0 : i32
        %dma_wait3A_377 = tpu.memref_slice %arg12[%dma_wait3A_375, %dma_wait3A_376] : memref<10112x64xf32, #tpu.memory_space<vmem_shared>> -> memref<10112x64xf32, #tpu.memory_space<vmem_shared>>
        tpu.wait_indirect_dma semaphore(%run_scoped3A_357 : memref<!tpu.dma_semaphore, #tpu.memory_space<semaphore_mem>>) src(%dma_wait3A_371 : memref<128x64xf32, #tpu.memory_space<vmem>>) dst(%dma_wait3A_377 : memref<10112x64xf32, #tpu.memory_space<vmem_shared>>)
        tpu.yield
      }) : () -> ()
      %add3A_146 = arith.constant 4 : i32
      %add3A_147 = arith.addi %add3A_117, %add3A_146 : i32
      %lt3A_148 = arith.constant 157 : i32
      %lt3A_149 = arith.cmpi slt, %add3A_147, %lt3A_148 : i32
      %convert_element_type3A_150 = arith.extui %lt3A_149 : i1 to i32
      %cond3A_151 = arith.constant 0 : i32
      %cond3A_152 = arith.cmpi ne, %convert_element_type3A_150, %cond3A_151 : i32
      scf.if %cond3A_152 {
        %add3A_357 = arith.constant 4 : i32
        %add3A_358 = arith.addi %add3A_117, %add3A_357 : i32
        %dma_start3A_359 = arith.constant 0 : i32
        %dma_start3A_360 = arith.constant 0 : i32
        %dma_start3A_361 = arith.constant 0 : i32
        %dma_start3A_362 = tpu.memref_slice %arg9[%dma_start3A_359, %dma_start3A_360, %dma_start3A_361] : memref<4x128x64xf32, #tpu.memory_space<vmem>> -> memref<1x128x64xf32, #tpu.memory_space<vmem>>
        %dma_start3A_363 = tpu.memref_squeeze %dma_start3A_362 : memref<1x128x64xf32, #tpu.memory_space<vmem>> -> memref<128x64xf32, #tpu.memory_space<vmem>>
        %dma_start3A_364 = arith.constant 0 : i32
        %dma_start3A_365 = tpu.memref_slice %arg7[%add3A_358, %dma_start3A_364] : memref<157x128xi32, #tpu.memory_space<vmem>> -> memref<1x128xi32, #tpu.memory_space<vmem>>
        %dma_start3A_366 = tpu.memref_squeeze %dma_start3A_365 : memref<1x128xi32, #tpu.memory_space<vmem>> -> memref<128xi32, #tpu.memory_space<vmem>>
        %dma_start3A_367 = arith.constant 0 : i32
        %dma_start3A_368 = arith.constant 0 : i32
        %dma_start3A_369 = tpu.memref_slice %arg2[%dma_start3A_367, %dma_start3A_368] : memref<20000x64xf32, #tpu.memory_space<hbm>> -> memref<20000x64xf32, #tpu.memory_space<hbm>>
        tpu.enqueue_indirect_dma source(%dma_start3A_369 : memref<20000x64xf32, #tpu.memory_space<hbm>>) target(%dma_start3A_363 : memref<128x64xf32, #tpu.memory_space<vmem>>) offsets(%dma_start3A_366 : memref<128xi32, #tpu.memory_space<vmem>>) semaphore(%arg14 : memref<!tpu.dma_semaphore, #tpu.memory_space<semaphore_mem>>)
      } else {
      }
      %jit3A_153 = arith.constant 2 : i32
      %eq3A_154 = arith.constant 0 : i32
      %eq3A_155 = arith.cmpi eq, %jit3A_153, %eq3A_154 : i32
      %jit3A_156 = arith.constant 1 : i32
      %select_n3A_157 = arith.select %eq3A_155, %jit3A_156, %jit3A_153 : i32
      %rem3A_158 = arith.remsi %add3A_117, %select_n3A_157 : i32
      %ne3A_159 = arith.constant 0 : i32
      %ne3A_160 = arith.cmpi ne, %rem3A_158, %ne3A_159 : i32
      %lt3A_161 = arith.constant 0 : i32
      %lt3A_162 = arith.cmpi slt, %rem3A_158, %lt3A_161 : i32
      %lt3A_163 = arith.constant 0 : i32
      %lt3A_164 = arith.cmpi slt, %select_n3A_157, %lt3A_163 : i32
      %ne3A_165 = arith.xori %lt3A_162, %lt3A_164 : i1
      %and3A_166 = arith.andi %ne3A_165, %ne3A_160 : i1
      %add3A_167 = arith.addi %rem3A_158, %select_n3A_157 : i32
      %select_n3A_168 = arith.select %and3A_166, %add3A_167, %rem3A_158 : i32
      %eq3A_169 = arith.cmpi eq, %arg0, %select_n3A_168 : i32
      %convert_element_type3A_170 = arith.extui %eq3A_169 : i1 to i32
      %cond3A_171 = arith.constant 0 : i32
      %cond3A_172 = arith.cmpi ne, %convert_element_type3A_170, %cond3A_171 : i32
      scf.if %cond3A_172 {
        %dma_wait3A_357 = arith.constant 0 : i32
        %dma_wait3A_358 = tpu.memref_slice %arg8[%add3A_117, %dma_wait3A_357] : memref<157x128xi32, #tpu.memory_space<vmem>> -> memref<1x128xi32, #tpu.memory_space<vmem>>
        %dma_wait3A_359 = tpu.memref_squeeze %dma_wait3A_358 : memref<1x128xi32, #tpu.memory_space<vmem>> -> memref<128xi32, #tpu.memory_space<vmem>>
        %dma_wait3A_360 = arith.constant 0 : i32
        %dma_wait3A_361 = arith.constant 0 : i32
        %dma_wait3A_362 = tpu.memref_slice %arg13[%dma_wait3A_360, %dma_wait3A_361] : memref<10112x16xf32, #tpu.memory_space<vmem_shared>> -> memref<10112x16xf32, #tpu.memory_space<vmem_shared>>
        tpu.wait_indirect_dma semaphore(%arg18 : memref<!tpu.dma_semaphore, #tpu.memory_space<semaphore_mem>>) src(%arg10 : memref<128x16xf32, #tpu.memory_space<vmem>>) dst(%dma_wait3A_362 : memref<10112x16xf32, #tpu.memory_space<vmem_shared>>)
      } else {
      }
      %add3A_173 = arith.constant 1 : i32
      %add3A_174 = arith.addi %mul3A_115, %add3A_173 : i32
      %dma_wait3A_175 = arith.constant 1 : i32
      %dma_wait3A_176 = arith.constant 0 : i32
      %dma_wait3A_177 = arith.constant 0 : i32
      %dma_wait3A_178 = tpu.memref_slice %arg9[%dma_wait3A_175, %dma_wait3A_176, %dma_wait3A_177] : memref<4x128x64xf32, #tpu.memory_space<vmem>> -> memref<1x128x64xf32, #tpu.memory_space<vmem>>
      %dma_wait3A_179 = tpu.memref_squeeze %dma_wait3A_178 : memref<1x128x64xf32, #tpu.memory_space<vmem>> -> memref<128x64xf32, #tpu.memory_space<vmem>>
      %dma_wait3A_180 = arith.constant 0 : i32
      %dma_wait3A_181 = tpu.memref_slice %arg7[%add3A_174, %dma_wait3A_180] : memref<157x128xi32, #tpu.memory_space<vmem>> -> memref<1x128xi32, #tpu.memory_space<vmem>>
      %dma_wait3A_182 = tpu.memref_squeeze %dma_wait3A_181 : memref<1x128xi32, #tpu.memory_space<vmem>> -> memref<128xi32, #tpu.memory_space<vmem>>
      %dma_wait3A_183 = arith.constant 0 : i32
      %dma_wait3A_184 = arith.constant 0 : i32
      %dma_wait3A_185 = tpu.memref_slice %arg2[%dma_wait3A_183, %dma_wait3A_184] : memref<20000x64xf32, #tpu.memory_space<hbm>> -> memref<20000x64xf32, #tpu.memory_space<hbm>>
      tpu.wait_indirect_dma semaphore(%arg15 : memref<!tpu.dma_semaphore, #tpu.memory_space<semaphore_mem>>) src(%dma_wait3A_185 : memref<20000x64xf32, #tpu.memory_space<hbm>>) dst(%dma_wait3A_179 : memref<128x64xf32, #tpu.memory_space<vmem>>)
      %jit3A_186 = arith.constant 2 : i32
      %eq3A_187 = arith.constant 0 : i32
      %eq3A_188 = arith.cmpi eq, %jit3A_186, %eq3A_187 : i32
      %jit3A_189 = arith.constant 1 : i32
      %select_n3A_190 = arith.select %eq3A_188, %jit3A_189, %jit3A_186 : i32
      %rem3A_191 = arith.remsi %add3A_174, %select_n3A_190 : i32
      %ne3A_192 = arith.constant 0 : i32
      %ne3A_193 = arith.cmpi ne, %rem3A_191, %ne3A_192 : i32
      %lt3A_194 = arith.constant 0 : i32
      %lt3A_195 = arith.cmpi slt, %rem3A_191, %lt3A_194 : i32
      %lt3A_196 = arith.constant 0 : i32
      %lt3A_197 = arith.cmpi slt, %select_n3A_190, %lt3A_196 : i32
      %ne3A_198 = arith.xori %lt3A_195, %lt3A_197 : i1
      %and3A_199 = arith.andi %ne3A_198, %ne3A_193 : i1
      %add3A_200 = arith.addi %rem3A_191, %select_n3A_190 : i32
      %select_n3A_201 = arith.select %and3A_199, %add3A_200, %rem3A_191 : i32
      %eq3A_202 = arith.cmpi eq, %arg0, %select_n3A_201 : i32
      %convert_element_type3A_203 = arith.extui %eq3A_202 : i1 to i32
      %cond3A_204 = arith.constant 0 : i32
      %cond3A_205 = arith.cmpi ne, %convert_element_type3A_203, %cond3A_204 : i32
      scf.if %cond3A_205 {
        %dma_start3A_357 = arith.constant 0 : i32
        %dma_start3A_358 = tpu.memref_slice %arg8[%add3A_174, %dma_start3A_357] : memref<157x128xi32, #tpu.memory_space<vmem>> -> memref<1x128xi32, #tpu.memory_space<vmem>>
        %dma_start3A_359 = tpu.memref_squeeze %dma_start3A_358 : memref<1x128xi32, #tpu.memory_space<vmem>> -> memref<128xi32, #tpu.memory_space<vmem>>
        %dma_start3A_360 = arith.constant 0 : i32
        %dma_start3A_361 = arith.constant 0 : i32
        %dma_start3A_362 = tpu.memref_slice %arg13[%dma_start3A_360, %dma_start3A_361] : memref<10112x16xf32, #tpu.memory_space<vmem_shared>> -> memref<10112x16xf32, #tpu.memory_space<vmem_shared>>
        tpu.enqueue_indirect_dma source(%arg10 : memref<128x16xf32, #tpu.memory_space<vmem>>) target(%dma_start3A_362 : memref<10112x16xf32, #tpu.memory_space<vmem_shared>>) offsets(%dma_start3A_359 : memref<128xi32, #tpu.memory_space<vmem>>) semaphore(%arg18 : memref<!tpu.dma_semaphore, #tpu.memory_space<semaphore_mem>>) {add = true}
      } else {
      }
      %run_scoped3A_206 = arith.constant 1 : i32
      "tpu.region"() ({
        %run_scoped3A_357 = tpu.sem_alloc : memref<!tpu.dma_semaphore, #tpu.memory_space<semaphore_mem>>
        %dma_start3A_358 = arith.constant 0 : i32
        %dma_start3A_359 = arith.constant 0 : i32
        %dma_start3A_360 = tpu.memref_slice %arg9[%run_scoped3A_206, %dma_start3A_358, %dma_start3A_359] : memref<4x128x64xf32, #tpu.memory_space<vmem>> -> memref<1x128x64xf32, #tpu.memory_space<vmem>>
        %dma_start3A_361 = tpu.memref_squeeze %dma_start3A_360 : memref<1x128x64xf32, #tpu.memory_space<vmem>> -> memref<128x64xf32, #tpu.memory_space<vmem>>
        %dma_start3A_362 = arith.constant 0 : i32
        %dma_start3A_363 = tpu.memref_slice %arg8[%add3A_174, %dma_start3A_362] : memref<157x128xi32, #tpu.memory_space<vmem>> -> memref<1x128xi32, #tpu.memory_space<vmem>>
        %dma_start3A_364 = tpu.memref_squeeze %dma_start3A_363 : memref<1x128xi32, #tpu.memory_space<vmem>> -> memref<128xi32, #tpu.memory_space<vmem>>
        %dma_start3A_365 = arith.constant 0 : i32
        %dma_start3A_366 = arith.constant 0 : i32
        %dma_start3A_367 = tpu.memref_slice %arg12[%dma_start3A_365, %dma_start3A_366] : memref<10112x64xf32, #tpu.memory_space<vmem_shared>> -> memref<10112x64xf32, #tpu.memory_space<vmem_shared>>
        tpu.enqueue_indirect_dma source(%dma_start3A_361 : memref<128x64xf32, #tpu.memory_space<vmem>>) target(%dma_start3A_367 : memref<10112x64xf32, #tpu.memory_space<vmem_shared>>) offsets(%dma_start3A_364 : memref<128xi32, #tpu.memory_space<vmem>>) semaphore(%run_scoped3A_357 : memref<!tpu.dma_semaphore, #tpu.memory_space<semaphore_mem>>) {add = true}
        %dma_wait3A_368 = arith.constant 0 : i32
        %dma_wait3A_369 = arith.constant 0 : i32
        %dma_wait3A_370 = tpu.memref_slice %arg9[%run_scoped3A_206, %dma_wait3A_368, %dma_wait3A_369] : memref<4x128x64xf32, #tpu.memory_space<vmem>> -> memref<1x128x64xf32, #tpu.memory_space<vmem>>
        %dma_wait3A_371 = tpu.memref_squeeze %dma_wait3A_370 : memref<1x128x64xf32, #tpu.memory_space<vmem>> -> memref<128x64xf32, #tpu.memory_space<vmem>>
        %dma_wait3A_372 = arith.constant 0 : i32
        %dma_wait3A_373 = tpu.memref_slice %arg8[%add3A_174, %dma_wait3A_372] : memref<157x128xi32, #tpu.memory_space<vmem>> -> memref<1x128xi32, #tpu.memory_space<vmem>>
        %dma_wait3A_374 = tpu.memref_squeeze %dma_wait3A_373 : memref<1x128xi32, #tpu.memory_space<vmem>> -> memref<128xi32, #tpu.memory_space<vmem>>
        %dma_wait3A_375 = arith.constant 0 : i32
        %dma_wait3A_376 = arith.constant 0 : i32
        %dma_wait3A_377 = tpu.memref_slice %arg12[%dma_wait3A_375, %dma_wait3A_376] : memref<10112x64xf32, #tpu.memory_space<vmem_shared>> -> memref<10112x64xf32, #tpu.memory_space<vmem_shared>>
        tpu.wait_indirect_dma semaphore(%run_scoped3A_357 : memref<!tpu.dma_semaphore, #tpu.memory_space<semaphore_mem>>) src(%dma_wait3A_371 : memref<128x64xf32, #tpu.memory_space<vmem>>) dst(%dma_wait3A_377 : memref<10112x64xf32, #tpu.memory_space<vmem_shared>>)
        tpu.yield
      }) : () -> ()
      %add3A_207 = arith.constant 4 : i32
      %add3A_208 = arith.addi %add3A_174, %add3A_207 : i32
      %lt3A_209 = arith.constant 157 : i32
      %lt3A_210 = arith.cmpi slt, %add3A_208, %lt3A_209 : i32
      %convert_element_type3A_211 = arith.extui %lt3A_210 : i1 to i32
      %cond3A_212 = arith.constant 0 : i32
      %cond3A_213 = arith.cmpi ne, %convert_element_type3A_211, %cond3A_212 : i32
      scf.if %cond3A_213 {
        %add3A_357 = arith.constant 4 : i32
        %add3A_358 = arith.addi %add3A_174, %add3A_357 : i32
        %dma_start3A_359 = arith.constant 1 : i32
        %dma_start3A_360 = arith.constant 0 : i32
        %dma_start3A_361 = arith.constant 0 : i32
        %dma_start3A_362 = tpu.memref_slice %arg9[%dma_start3A_359, %dma_start3A_360, %dma_start3A_361] : memref<4x128x64xf32, #tpu.memory_space<vmem>> -> memref<1x128x64xf32, #tpu.memory_space<vmem>>
        %dma_start3A_363 = tpu.memref_squeeze %dma_start3A_362 : memref<1x128x64xf32, #tpu.memory_space<vmem>> -> memref<128x64xf32, #tpu.memory_space<vmem>>
        %dma_start3A_364 = arith.constant 0 : i32
        %dma_start3A_365 = tpu.memref_slice %arg7[%add3A_358, %dma_start3A_364] : memref<157x128xi32, #tpu.memory_space<vmem>> -> memref<1x128xi32, #tpu.memory_space<vmem>>
        %dma_start3A_366 = tpu.memref_squeeze %dma_start3A_365 : memref<1x128xi32, #tpu.memory_space<vmem>> -> memref<128xi32, #tpu.memory_space<vmem>>
        %dma_start3A_367 = arith.constant 0 : i32
        %dma_start3A_368 = arith.constant 0 : i32
        %dma_start3A_369 = tpu.memref_slice %arg2[%dma_start3A_367, %dma_start3A_368] : memref<20000x64xf32, #tpu.memory_space<hbm>> -> memref<20000x64xf32, #tpu.memory_space<hbm>>
        tpu.enqueue_indirect_dma source(%dma_start3A_369 : memref<20000x64xf32, #tpu.memory_space<hbm>>) target(%dma_start3A_363 : memref<128x64xf32, #tpu.memory_space<vmem>>) offsets(%dma_start3A_366 : memref<128xi32, #tpu.memory_space<vmem>>) semaphore(%arg15 : memref<!tpu.dma_semaphore, #tpu.memory_space<semaphore_mem>>)
      } else {
      }
      %jit3A_214 = arith.constant 2 : i32
      %eq3A_215 = arith.constant 0 : i32
      %eq3A_216 = arith.cmpi eq, %jit3A_214, %eq3A_215 : i32
      %jit3A_217 = arith.constant 1 : i32
      %select_n3A_218 = arith.select %eq3A_216, %jit3A_217, %jit3A_214 : i32
      %rem3A_219 = arith.remsi %add3A_174, %select_n3A_218 : i32
      %ne3A_220 = arith.constant 0 : i32
      %ne3A_221 = arith.cmpi ne, %rem3A_219, %ne3A_220 : i32
      %lt3A_222 = arith.constant 0 : i32
      %lt3A_223 = arith.cmpi slt, %rem3A_219, %lt3A_222 : i32
      %lt3A_224 = arith.constant 0 : i32
      %lt3A_225 = arith.cmpi slt, %select_n3A_218, %lt3A_224 : i32
      %ne3A_226 = arith.xori %lt3A_223, %lt3A_225 : i1
      %and3A_227 = arith.andi %ne3A_226, %ne3A_221 : i1
      %add3A_228 = arith.addi %rem3A_219, %select_n3A_218 : i32
      %select_n3A_229 = arith.select %and3A_227, %add3A_228, %rem3A_219 : i32
      %eq3A_230 = arith.cmpi eq, %arg0, %select_n3A_229 : i32
      %convert_element_type3A_231 = arith.extui %eq3A_230 : i1 to i32
      %cond3A_232 = arith.constant 0 : i32
      %cond3A_233 = arith.cmpi ne, %convert_element_type3A_231, %cond3A_232 : i32
      scf.if %cond3A_233 {
        %dma_wait3A_357 = arith.constant 0 : i32
        %dma_wait3A_358 = tpu.memref_slice %arg8[%add3A_174, %dma_wait3A_357] : memref<157x128xi32, #tpu.memory_space<vmem>> -> memref<1x128xi32, #tpu.memory_space<vmem>>
        %dma_wait3A_359 = tpu.memref_squeeze %dma_wait3A_358 : memref<1x128xi32, #tpu.memory_space<vmem>> -> memref<128xi32, #tpu.memory_space<vmem>>
        %dma_wait3A_360 = arith.constant 0 : i32
        %dma_wait3A_361 = arith.constant 0 : i32
        %dma_wait3A_362 = tpu.memref_slice %arg13[%dma_wait3A_360, %dma_wait3A_361] : memref<10112x16xf32, #tpu.memory_space<vmem_shared>> -> memref<10112x16xf32, #tpu.memory_space<vmem_shared>>
        tpu.wait_indirect_dma semaphore(%arg18 : memref<!tpu.dma_semaphore, #tpu.memory_space<semaphore_mem>>) src(%arg10 : memref<128x16xf32, #tpu.memory_space<vmem>>) dst(%dma_wait3A_362 : memref<10112x16xf32, #tpu.memory_space<vmem_shared>>)
      } else {
      }
      %add3A_234 = arith.constant 2 : i32
      %add3A_235 = arith.addi %mul3A_115, %add3A_234 : i32
      %dma_wait3A_236 = arith.constant 2 : i32
      %dma_wait3A_237 = arith.constant 0 : i32
      %dma_wait3A_238 = arith.constant 0 : i32
      %dma_wait3A_239 = tpu.memref_slice %arg9[%dma_wait3A_236, %dma_wait3A_237, %dma_wait3A_238] : memref<4x128x64xf32, #tpu.memory_space<vmem>> -> memref<1x128x64xf32, #tpu.memory_space<vmem>>
      %dma_wait3A_240 = tpu.memref_squeeze %dma_wait3A_239 : memref<1x128x64xf32, #tpu.memory_space<vmem>> -> memref<128x64xf32, #tpu.memory_space<vmem>>
      %dma_wait3A_241 = arith.constant 0 : i32
      %dma_wait3A_242 = tpu.memref_slice %arg7[%add3A_235, %dma_wait3A_241] : memref<157x128xi32, #tpu.memory_space<vmem>> -> memref<1x128xi32, #tpu.memory_space<vmem>>
      %dma_wait3A_243 = tpu.memref_squeeze %dma_wait3A_242 : memref<1x128xi32, #tpu.memory_space<vmem>> -> memref<128xi32, #tpu.memory_space<vmem>>
      %dma_wait3A_244 = arith.constant 0 : i32
      %dma_wait3A_245 = arith.constant 0 : i32
      %dma_wait3A_246 = tpu.memref_slice %arg2[%dma_wait3A_244, %dma_wait3A_245] : memref<20000x64xf32, #tpu.memory_space<hbm>> -> memref<20000x64xf32, #tpu.memory_space<hbm>>
      tpu.wait_indirect_dma semaphore(%arg16 : memref<!tpu.dma_semaphore, #tpu.memory_space<semaphore_mem>>) src(%dma_wait3A_246 : memref<20000x64xf32, #tpu.memory_space<hbm>>) dst(%dma_wait3A_240 : memref<128x64xf32, #tpu.memory_space<vmem>>)
      %jit3A_247 = arith.constant 2 : i32
      %eq3A_248 = arith.constant 0 : i32
      %eq3A_249 = arith.cmpi eq, %jit3A_247, %eq3A_248 : i32
      %jit3A_250 = arith.constant 1 : i32
      %select_n3A_251 = arith.select %eq3A_249, %jit3A_250, %jit3A_247 : i32
      %rem3A_252 = arith.remsi %add3A_235, %select_n3A_251 : i32
      %ne3A_253 = arith.constant 0 : i32
      %ne3A_254 = arith.cmpi ne, %rem3A_252, %ne3A_253 : i32
      %lt3A_255 = arith.constant 0 : i32
      %lt3A_256 = arith.cmpi slt, %rem3A_252, %lt3A_255 : i32
      %lt3A_257 = arith.constant 0 : i32
      %lt3A_258 = arith.cmpi slt, %select_n3A_251, %lt3A_257 : i32
      %ne3A_259 = arith.xori %lt3A_256, %lt3A_258 : i1
      %and3A_260 = arith.andi %ne3A_259, %ne3A_254 : i1
      %add3A_261 = arith.addi %rem3A_252, %select_n3A_251 : i32
      %select_n3A_262 = arith.select %and3A_260, %add3A_261, %rem3A_252 : i32
      %eq3A_263 = arith.cmpi eq, %arg0, %select_n3A_262 : i32
      %convert_element_type3A_264 = arith.extui %eq3A_263 : i1 to i32
      %cond3A_265 = arith.constant 0 : i32
      %cond3A_266 = arith.cmpi ne, %convert_element_type3A_264, %cond3A_265 : i32
      scf.if %cond3A_266 {
        %dma_start3A_357 = arith.constant 0 : i32
        %dma_start3A_358 = tpu.memref_slice %arg8[%add3A_235, %dma_start3A_357] : memref<157x128xi32, #tpu.memory_space<vmem>> -> memref<1x128xi32, #tpu.memory_space<vmem>>
        %dma_start3A_359 = tpu.memref_squeeze %dma_start3A_358 : memref<1x128xi32, #tpu.memory_space<vmem>> -> memref<128xi32, #tpu.memory_space<vmem>>
        %dma_start3A_360 = arith.constant 0 : i32
        %dma_start3A_361 = arith.constant 0 : i32
        %dma_start3A_362 = tpu.memref_slice %arg13[%dma_start3A_360, %dma_start3A_361] : memref<10112x16xf32, #tpu.memory_space<vmem_shared>> -> memref<10112x16xf32, #tpu.memory_space<vmem_shared>>
        tpu.enqueue_indirect_dma source(%arg10 : memref<128x16xf32, #tpu.memory_space<vmem>>) target(%dma_start3A_362 : memref<10112x16xf32, #tpu.memory_space<vmem_shared>>) offsets(%dma_start3A_359 : memref<128xi32, #tpu.memory_space<vmem>>) semaphore(%arg18 : memref<!tpu.dma_semaphore, #tpu.memory_space<semaphore_mem>>) {add = true}
      } else {
      }
      %run_scoped3A_267 = arith.constant 2 : i32
      "tpu.region"() ({
        %run_scoped3A_357 = tpu.sem_alloc : memref<!tpu.dma_semaphore, #tpu.memory_space<semaphore_mem>>
        %dma_start3A_358 = arith.constant 0 : i32
        %dma_start3A_359 = arith.constant 0 : i32
        %dma_start3A_360 = tpu.memref_slice %arg9[%run_scoped3A_267, %dma_start3A_358, %dma_start3A_359] : memref<4x128x64xf32, #tpu.memory_space<vmem>> -> memref<1x128x64xf32, #tpu.memory_space<vmem>>
        %dma_start3A_361 = tpu.memref_squeeze %dma_start3A_360 : memref<1x128x64xf32, #tpu.memory_space<vmem>> -> memref<128x64xf32, #tpu.memory_space<vmem>>
        %dma_start3A_362 = arith.constant 0 : i32
        %dma_start3A_363 = tpu.memref_slice %arg8[%add3A_235, %dma_start3A_362] : memref<157x128xi32, #tpu.memory_space<vmem>> -> memref<1x128xi32, #tpu.memory_space<vmem>>
        %dma_start3A_364 = tpu.memref_squeeze %dma_start3A_363 : memref<1x128xi32, #tpu.memory_space<vmem>> -> memref<128xi32, #tpu.memory_space<vmem>>
        %dma_start3A_365 = arith.constant 0 : i32
        %dma_start3A_366 = arith.constant 0 : i32
        %dma_start3A_367 = tpu.memref_slice %arg12[%dma_start3A_365, %dma_start3A_366] : memref<10112x64xf32, #tpu.memory_space<vmem_shared>> -> memref<10112x64xf32, #tpu.memory_space<vmem_shared>>
        tpu.enqueue_indirect_dma source(%dma_start3A_361 : memref<128x64xf32, #tpu.memory_space<vmem>>) target(%dma_start3A_367 : memref<10112x64xf32, #tpu.memory_space<vmem_shared>>) offsets(%dma_start3A_364 : memref<128xi32, #tpu.memory_space<vmem>>) semaphore(%run_scoped3A_357 : memref<!tpu.dma_semaphore, #tpu.memory_space<semaphore_mem>>) {add = true}
        %dma_wait3A_368 = arith.constant 0 : i32
        %dma_wait3A_369 = arith.constant 0 : i32
        %dma_wait3A_370 = tpu.memref_slice %arg9[%run_scoped3A_267, %dma_wait3A_368, %dma_wait3A_369] : memref<4x128x64xf32, #tpu.memory_space<vmem>> -> memref<1x128x64xf32, #tpu.memory_space<vmem>>
        %dma_wait3A_371 = tpu.memref_squeeze %dma_wait3A_370 : memref<1x128x64xf32, #tpu.memory_space<vmem>> -> memref<128x64xf32, #tpu.memory_space<vmem>>
        %dma_wait3A_372 = arith.constant 0 : i32
        %dma_wait3A_373 = tpu.memref_slice %arg8[%add3A_235, %dma_wait3A_372] : memref<157x128xi32, #tpu.memory_space<vmem>> -> memref<1x128xi32, #tpu.memory_space<vmem>>
        %dma_wait3A_374 = tpu.memref_squeeze %dma_wait3A_373 : memref<1x128xi32, #tpu.memory_space<vmem>> -> memref<128xi32, #tpu.memory_space<vmem>>
        %dma_wait3A_375 = arith.constant 0 : i32
        %dma_wait3A_376 = arith.constant 0 : i32
        %dma_wait3A_377 = tpu.memref_slice %arg12[%dma_wait3A_375, %dma_wait3A_376] : memref<10112x64xf32, #tpu.memory_space<vmem_shared>> -> memref<10112x64xf32, #tpu.memory_space<vmem_shared>>
        tpu.wait_indirect_dma semaphore(%run_scoped3A_357 : memref<!tpu.dma_semaphore, #tpu.memory_space<semaphore_mem>>) src(%dma_wait3A_371 : memref<128x64xf32, #tpu.memory_space<vmem>>) dst(%dma_wait3A_377 : memref<10112x64xf32, #tpu.memory_space<vmem_shared>>)
        tpu.yield
      }) : () -> ()
      %add3A_268 = arith.constant 4 : i32
      %add3A_269 = arith.addi %add3A_235, %add3A_268 : i32
      %lt3A_270 = arith.constant 157 : i32
      %lt3A_271 = arith.cmpi slt, %add3A_269, %lt3A_270 : i32
      %convert_element_type3A_272 = arith.extui %lt3A_271 : i1 to i32
      %cond3A_273 = arith.constant 0 : i32
      %cond3A_274 = arith.cmpi ne, %convert_element_type3A_272, %cond3A_273 : i32
      scf.if %cond3A_274 {
        %add3A_357 = arith.constant 4 : i32
        %add3A_358 = arith.addi %add3A_235, %add3A_357 : i32
        %dma_start3A_359 = arith.constant 2 : i32
        %dma_start3A_360 = arith.constant 0 : i32
        %dma_start3A_361 = arith.constant 0 : i32
        %dma_start3A_362 = tpu.memref_slice %arg9[%dma_start3A_359, %dma_start3A_360, %dma_start3A_361] : memref<4x128x64xf32, #tpu.memory_space<vmem>> -> memref<1x128x64xf32, #tpu.memory_space<vmem>>
        %dma_start3A_363 = tpu.memref_squeeze %dma_start3A_362 : memref<1x128x64xf32, #tpu.memory_space<vmem>> -> memref<128x64xf32, #tpu.memory_space<vmem>>
        %dma_start3A_364 = arith.constant 0 : i32
        %dma_start3A_365 = tpu.memref_slice %arg7[%add3A_358, %dma_start3A_364] : memref<157x128xi32, #tpu.memory_space<vmem>> -> memref<1x128xi32, #tpu.memory_space<vmem>>
        %dma_start3A_366 = tpu.memref_squeeze %dma_start3A_365 : memref<1x128xi32, #tpu.memory_space<vmem>> -> memref<128xi32, #tpu.memory_space<vmem>>
        %dma_start3A_367 = arith.constant 0 : i32
        %dma_start3A_368 = arith.constant 0 : i32
        %dma_start3A_369 = tpu.memref_slice %arg2[%dma_start3A_367, %dma_start3A_368] : memref<20000x64xf32, #tpu.memory_space<hbm>> -> memref<20000x64xf32, #tpu.memory_space<hbm>>
        tpu.enqueue_indirect_dma source(%dma_start3A_369 : memref<20000x64xf32, #tpu.memory_space<hbm>>) target(%dma_start3A_363 : memref<128x64xf32, #tpu.memory_space<vmem>>) offsets(%dma_start3A_366 : memref<128xi32, #tpu.memory_space<vmem>>) semaphore(%arg16 : memref<!tpu.dma_semaphore, #tpu.memory_space<semaphore_mem>>)
      } else {
      }
      %jit3A_275 = arith.constant 2 : i32
      %eq3A_276 = arith.constant 0 : i32
      %eq3A_277 = arith.cmpi eq, %jit3A_275, %eq3A_276 : i32
      %jit3A_278 = arith.constant 1 : i32
      %select_n3A_279 = arith.select %eq3A_277, %jit3A_278, %jit3A_275 : i32
      %rem3A_280 = arith.remsi %add3A_235, %select_n3A_279 : i32
      %ne3A_281 = arith.constant 0 : i32
      %ne3A_282 = arith.cmpi ne, %rem3A_280, %ne3A_281 : i32
      %lt3A_283 = arith.constant 0 : i32
      %lt3A_284 = arith.cmpi slt, %rem3A_280, %lt3A_283 : i32
      %lt3A_285 = arith.constant 0 : i32
      %lt3A_286 = arith.cmpi slt, %select_n3A_279, %lt3A_285 : i32
      %ne3A_287 = arith.xori %lt3A_284, %lt3A_286 : i1
      %and3A_288 = arith.andi %ne3A_287, %ne3A_282 : i1
      %add3A_289 = arith.addi %rem3A_280, %select_n3A_279 : i32
      %select_n3A_290 = arith.select %and3A_288, %add3A_289, %rem3A_280 : i32
      %eq3A_291 = arith.cmpi eq, %arg0, %select_n3A_290 : i32
      %convert_element_type3A_292 = arith.extui %eq3A_291 : i1 to i32
      %cond3A_293 = arith.constant 0 : i32
      %cond3A_294 = arith.cmpi ne, %convert_element_type3A_292, %cond3A_293 : i32
      scf.if %cond3A_294 {
        %dma_wait3A_357 = arith.constant 0 : i32
        %dma_wait3A_358 = tpu.memref_slice %arg8[%add3A_235, %dma_wait3A_357] : memref<157x128xi32, #tpu.memory_space<vmem>> -> memref<1x128xi32, #tpu.memory_space<vmem>>
        %dma_wait3A_359 = tpu.memref_squeeze %dma_wait3A_358 : memref<1x128xi32, #tpu.memory_space<vmem>> -> memref<128xi32, #tpu.memory_space<vmem>>
        %dma_wait3A_360 = arith.constant 0 : i32
        %dma_wait3A_361 = arith.constant 0 : i32
        %dma_wait3A_362 = tpu.memref_slice %arg13[%dma_wait3A_360, %dma_wait3A_361] : memref<10112x16xf32, #tpu.memory_space<vmem_shared>> -> memref<10112x16xf32, #tpu.memory_space<vmem_shared>>
        tpu.wait_indirect_dma semaphore(%arg18 : memref<!tpu.dma_semaphore, #tpu.memory_space<semaphore_mem>>) src(%arg10 : memref<128x16xf32, #tpu.memory_space<vmem>>) dst(%dma_wait3A_362 : memref<10112x16xf32, #tpu.memory_space<vmem_shared>>)
      } else {
      }
      %add3A_295 = arith.constant 3 : i32
      %add3A_296 = arith.addi %mul3A_115, %add3A_295 : i32
      %dma_wait3A_297 = arith.constant 3 : i32
      %dma_wait3A_298 = arith.constant 0 : i32
      %dma_wait3A_299 = arith.constant 0 : i32
      %dma_wait3A_300 = tpu.memref_slice %arg9[%dma_wait3A_297, %dma_wait3A_298, %dma_wait3A_299] : memref<4x128x64xf32, #tpu.memory_space<vmem>> -> memref<1x128x64xf32, #tpu.memory_space<vmem>>
      %dma_wait3A_301 = tpu.memref_squeeze %dma_wait3A_300 : memref<1x128x64xf32, #tpu.memory_space<vmem>> -> memref<128x64xf32, #tpu.memory_space<vmem>>
      %dma_wait3A_302 = arith.constant 0 : i32
      %dma_wait3A_303 = tpu.memref_slice %arg7[%add3A_296, %dma_wait3A_302] : memref<157x128xi32, #tpu.memory_space<vmem>> -> memref<1x128xi32, #tpu.memory_space<vmem>>
      %dma_wait3A_304 = tpu.memref_squeeze %dma_wait3A_303 : memref<1x128xi32, #tpu.memory_space<vmem>> -> memref<128xi32, #tpu.memory_space<vmem>>
      %dma_wait3A_305 = arith.constant 0 : i32
      %dma_wait3A_306 = arith.constant 0 : i32
      %dma_wait3A_307 = tpu.memref_slice %arg2[%dma_wait3A_305, %dma_wait3A_306] : memref<20000x64xf32, #tpu.memory_space<hbm>> -> memref<20000x64xf32, #tpu.memory_space<hbm>>
      tpu.wait_indirect_dma semaphore(%arg17 : memref<!tpu.dma_semaphore, #tpu.memory_space<semaphore_mem>>) src(%dma_wait3A_307 : memref<20000x64xf32, #tpu.memory_space<hbm>>) dst(%dma_wait3A_301 : memref<128x64xf32, #tpu.memory_space<vmem>>)
      %jit3A_308 = arith.constant 2 : i32
      %eq3A_309 = arith.constant 0 : i32
      %eq3A_310 = arith.cmpi eq, %jit3A_308, %eq3A_309 : i32
      %jit3A_311 = arith.constant 1 : i32
      %select_n3A_312 = arith.select %eq3A_310, %jit3A_311, %jit3A_308 : i32
      %rem3A_313 = arith.remsi %add3A_296, %select_n3A_312 : i32
      %ne3A_314 = arith.constant 0 : i32
      %ne3A_315 = arith.cmpi ne, %rem3A_313, %ne3A_314 : i32
      %lt3A_316 = arith.constant 0 : i32
      %lt3A_317 = arith.cmpi slt, %rem3A_313, %lt3A_316 : i32
      %lt3A_318 = arith.constant 0 : i32
      %lt3A_319 = arith.cmpi slt, %select_n3A_312, %lt3A_318 : i32
      %ne3A_320 = arith.xori %lt3A_317, %lt3A_319 : i1
      %and3A_321 = arith.andi %ne3A_320, %ne3A_315 : i1
      %add3A_322 = arith.addi %rem3A_313, %select_n3A_312 : i32
      %select_n3A_323 = arith.select %and3A_321, %add3A_322, %rem3A_313 : i32
      %eq3A_324 = arith.cmpi eq, %arg0, %select_n3A_323 : i32
      %convert_element_type3A_325 = arith.extui %eq3A_324 : i1 to i32
      %cond3A_326 = arith.constant 0 : i32
      %cond3A_327 = arith.cmpi ne, %convert_element_type3A_325, %cond3A_326 : i32
      scf.if %cond3A_327 {
        %dma_start3A_357 = arith.constant 0 : i32
        %dma_start3A_358 = tpu.memref_slice %arg8[%add3A_296, %dma_start3A_357] : memref<157x128xi32, #tpu.memory_space<vmem>> -> memref<1x128xi32, #tpu.memory_space<vmem>>
        %dma_start3A_359 = tpu.memref_squeeze %dma_start3A_358 : memref<1x128xi32, #tpu.memory_space<vmem>> -> memref<128xi32, #tpu.memory_space<vmem>>
        %dma_start3A_360 = arith.constant 0 : i32
        %dma_start3A_361 = arith.constant 0 : i32
        %dma_start3A_362 = tpu.memref_slice %arg13[%dma_start3A_360, %dma_start3A_361] : memref<10112x16xf32, #tpu.memory_space<vmem_shared>> -> memref<10112x16xf32, #tpu.memory_space<vmem_shared>>
        tpu.enqueue_indirect_dma source(%arg10 : memref<128x16xf32, #tpu.memory_space<vmem>>) target(%dma_start3A_362 : memref<10112x16xf32, #tpu.memory_space<vmem_shared>>) offsets(%dma_start3A_359 : memref<128xi32, #tpu.memory_space<vmem>>) semaphore(%arg18 : memref<!tpu.dma_semaphore, #tpu.memory_space<semaphore_mem>>) {add = true}
      } else {
      }
      %run_scoped3A_328 = arith.constant 3 : i32
      "tpu.region"() ({
        %run_scoped3A_357 = tpu.sem_alloc : memref<!tpu.dma_semaphore, #tpu.memory_space<semaphore_mem>>
        %dma_start3A_358 = arith.constant 0 : i32
        %dma_start3A_359 = arith.constant 0 : i32
        %dma_start3A_360 = tpu.memref_slice %arg9[%run_scoped3A_328, %dma_start3A_358, %dma_start3A_359] : memref<4x128x64xf32, #tpu.memory_space<vmem>> -> memref<1x128x64xf32, #tpu.memory_space<vmem>>
        %dma_start3A_361 = tpu.memref_squeeze %dma_start3A_360 : memref<1x128x64xf32, #tpu.memory_space<vmem>> -> memref<128x64xf32, #tpu.memory_space<vmem>>
        %dma_start3A_362 = arith.constant 0 : i32
        %dma_start3A_363 = tpu.memref_slice %arg8[%add3A_296, %dma_start3A_362] : memref<157x128xi32, #tpu.memory_space<vmem>> -> memref<1x128xi32, #tpu.memory_space<vmem>>
        %dma_start3A_364 = tpu.memref_squeeze %dma_start3A_363 : memref<1x128xi32, #tpu.memory_space<vmem>> -> memref<128xi32, #tpu.memory_space<vmem>>
        %dma_start3A_365 = arith.constant 0 : i32
        %dma_start3A_366 = arith.constant 0 : i32
        %dma_start3A_367 = tpu.memref_slice %arg12[%dma_start3A_365, %dma_start3A_366] : memref<10112x64xf32, #tpu.memory_space<vmem_shared>> -> memref<10112x64xf32, #tpu.memory_space<vmem_shared>>
        tpu.enqueue_indirect_dma source(%dma_start3A_361 : memref<128x64xf32, #tpu.memory_space<vmem>>) target(%dma_start3A_367 : memref<10112x64xf32, #tpu.memory_space<vmem_shared>>) offsets(%dma_start3A_364 : memref<128xi32, #tpu.memory_space<vmem>>) semaphore(%run_scoped3A_357 : memref<!tpu.dma_semaphore, #tpu.memory_space<semaphore_mem>>) {add = true}
        %dma_wait3A_368 = arith.constant 0 : i32
        %dma_wait3A_369 = arith.constant 0 : i32
        %dma_wait3A_370 = tpu.memref_slice %arg9[%run_scoped3A_328, %dma_wait3A_368, %dma_wait3A_369] : memref<4x128x64xf32, #tpu.memory_space<vmem>> -> memref<1x128x64xf32, #tpu.memory_space<vmem>>
        %dma_wait3A_371 = tpu.memref_squeeze %dma_wait3A_370 : memref<1x128x64xf32, #tpu.memory_space<vmem>> -> memref<128x64xf32, #tpu.memory_space<vmem>>
        %dma_wait3A_372 = arith.constant 0 : i32
        %dma_wait3A_373 = tpu.memref_slice %arg8[%add3A_296, %dma_wait3A_372] : memref<157x128xi32, #tpu.memory_space<vmem>> -> memref<1x128xi32, #tpu.memory_space<vmem>>
        %dma_wait3A_374 = tpu.memref_squeeze %dma_wait3A_373 : memref<1x128xi32, #tpu.memory_space<vmem>> -> memref<128xi32, #tpu.memory_space<vmem>>
        %dma_wait3A_375 = arith.constant 0 : i32
        %dma_wait3A_376 = arith.constant 0 : i32
        %dma_wait3A_377 = tpu.memref_slice %arg12[%dma_wait3A_375, %dma_wait3A_376] : memref<10112x64xf32, #tpu.memory_space<vmem_shared>> -> memref<10112x64xf32, #tpu.memory_space<vmem_shared>>
        tpu.wait_indirect_dma semaphore(%run_scoped3A_357 : memref<!tpu.dma_semaphore, #tpu.memory_space<semaphore_mem>>) src(%dma_wait3A_371 : memref<128x64xf32, #tpu.memory_space<vmem>>) dst(%dma_wait3A_377 : memref<10112x64xf32, #tpu.memory_space<vmem_shared>>)
        tpu.yield
      }) : () -> ()
      %add3A_329 = arith.constant 4 : i32
      %add3A_330 = arith.addi %add3A_296, %add3A_329 : i32
      %lt3A_331 = arith.constant 157 : i32
      %lt3A_332 = arith.cmpi slt, %add3A_330, %lt3A_331 : i32
      %convert_element_type3A_333 = arith.extui %lt3A_332 : i1 to i32
      %cond3A_334 = arith.constant 0 : i32
      %cond3A_335 = arith.cmpi ne, %convert_element_type3A_333, %cond3A_334 : i32
      scf.if %cond3A_335 {
        %add3A_357 = arith.constant 4 : i32
        %add3A_358 = arith.addi %add3A_296, %add3A_357 : i32
        %dma_start3A_359 = arith.constant 3 : i32
        %dma_start3A_360 = arith.constant 0 : i32
        %dma_start3A_361 = arith.constant 0 : i32
        %dma_start3A_362 = tpu.memref_slice %arg9[%dma_start3A_359, %dma_start3A_360, %dma_start3A_361] : memref<4x128x64xf32, #tpu.memory_space<vmem>> -> memref<1x128x64xf32, #tpu.memory_space<vmem>>
        %dma_start3A_363 = tpu.memref_squeeze %dma_start3A_362 : memref<1x128x64xf32, #tpu.memory_space<vmem>> -> memref<128x64xf32, #tpu.memory_space<vmem>>
        %dma_start3A_364 = arith.constant 0 : i32
        %dma_start3A_365 = tpu.memref_slice %arg7[%add3A_358, %dma_start3A_364] : memref<157x128xi32, #tpu.memory_space<vmem>> -> memref<1x128xi32, #tpu.memory_space<vmem>>
        %dma_start3A_366 = tpu.memref_squeeze %dma_start3A_365 : memref<1x128xi32, #tpu.memory_space<vmem>> -> memref<128xi32, #tpu.memory_space<vmem>>
        %dma_start3A_367 = arith.constant 0 : i32
        %dma_start3A_368 = arith.constant 0 : i32
        %dma_start3A_369 = tpu.memref_slice %arg2[%dma_start3A_367, %dma_start3A_368] : memref<20000x64xf32, #tpu.memory_space<hbm>> -> memref<20000x64xf32, #tpu.memory_space<hbm>>
        tpu.enqueue_indirect_dma source(%dma_start3A_369 : memref<20000x64xf32, #tpu.memory_space<hbm>>) target(%dma_start3A_363 : memref<128x64xf32, #tpu.memory_space<vmem>>) offsets(%dma_start3A_366 : memref<128xi32, #tpu.memory_space<vmem>>) semaphore(%arg17 : memref<!tpu.dma_semaphore, #tpu.memory_space<semaphore_mem>>)
      } else {
      }
      %jit3A_336 = arith.constant 2 : i32
      %eq3A_337 = arith.constant 0 : i32
      %eq3A_338 = arith.cmpi eq, %jit3A_336, %eq3A_337 : i32
      %jit3A_339 = arith.constant 1 : i32
      %select_n3A_340 = arith.select %eq3A_338, %jit3A_339, %jit3A_336 : i32
      %rem3A_341 = arith.remsi %add3A_296, %select_n3A_340 : i32
      %ne3A_342 = arith.constant 0 : i32
      %ne3A_343 = arith.cmpi ne, %rem3A_341, %ne3A_342 : i32
      %lt3A_344 = arith.constant 0 : i32
      %lt3A_345 = arith.cmpi slt, %rem3A_341, %lt3A_344 : i32
      %lt3A_346 = arith.constant 0 : i32
      %lt3A_347 = arith.cmpi slt, %select_n3A_340, %lt3A_346 : i32
      %ne3A_348 = arith.xori %lt3A_345, %lt3A_347 : i1
      %and3A_349 = arith.andi %ne3A_348, %ne3A_343 : i1
      %add3A_350 = arith.addi %rem3A_341, %select_n3A_340 : i32
      %select_n3A_351 = arith.select %and3A_349, %add3A_350, %rem3A_341 : i32
      %eq3A_352 = arith.cmpi eq, %arg0, %select_n3A_351 : i32
      %convert_element_type3A_353 = arith.extui %eq3A_352 : i1 to i32
      %cond3A_354 = arith.constant 0 : i32
      %cond3A_355 = arith.cmpi ne, %convert_element_type3A_353, %cond3A_354 : i32
      scf.if %cond3A_355 {
        %dma_wait3A_357 = arith.constant 0 : i32
        %dma_wait3A_358 = tpu.memref_slice %arg8[%add3A_296, %dma_wait3A_357] : memref<157x128xi32, #tpu.memory_space<vmem>> -> memref<1x128xi32, #tpu.memory_space<vmem>>
        %dma_wait3A_359 = tpu.memref_squeeze %dma_wait3A_358 : memref<1x128xi32, #tpu.memory_space<vmem>> -> memref<128xi32, #tpu.memory_space<vmem>>
        %dma_wait3A_360 = arith.constant 0 : i32
        %dma_wait3A_361 = arith.constant 0 : i32
        %dma_wait3A_362 = tpu.memref_slice %arg13[%dma_wait3A_360, %dma_wait3A_361] : memref<10112x16xf32, #tpu.memory_space<vmem_shared>> -> memref<10112x16xf32, #tpu.memory_space<vmem_shared>>
        tpu.wait_indirect_dma semaphore(%arg18 : memref<!tpu.dma_semaphore, #tpu.memory_space<semaphore_mem>>) src(%arg10 : memref<128x16xf32, #tpu.memory_space<vmem>>) dst(%dma_wait3A_362 : memref<10112x16xf32, #tpu.memory_space<vmem_shared>>)
      } else {
      }
      %scan3A_356 = arith.constant 0 : i32
      scf.yield %scan3A_356 : i32
    }
    %scan3A_89 = arith.constant 39 : i32
    %dma_wait3A = arith.constant 156 : i32
    %dma_wait3A_90 = arith.constant 0 : i32
    %dma_wait3A_91 = arith.constant 0 : i32
    %dma_wait3A_92 = arith.constant 0 : i32
    %dma_wait3A_93 = tpu.memref_slice %arg9[%dma_wait3A_90, %dma_wait3A_91, %dma_wait3A_92] : memref<4x128x64xf32, #tpu.memory_space<vmem>> -> memref<1x128x64xf32, #tpu.memory_space<vmem>>
    %dma_wait3A_94 = tpu.memref_squeeze %dma_wait3A_93 : memref<1x128x64xf32, #tpu.memory_space<vmem>> -> memref<128x64xf32, #tpu.memory_space<vmem>>
    %dma_wait3A_95 = arith.constant 0 : i32
    %dma_wait3A_96 = tpu.memref_slice %arg7[%dma_wait3A, %dma_wait3A_95] : memref<157x128xi32, #tpu.memory_space<vmem>> -> memref<1x128xi32, #tpu.memory_space<vmem>>
    %dma_wait3A_97 = tpu.memref_squeeze %dma_wait3A_96 : memref<1x128xi32, #tpu.memory_space<vmem>> -> memref<128xi32, #tpu.memory_space<vmem>>
    %dma_wait3A_98 = arith.constant 0 : i32
    %dma_wait3A_99 = arith.constant 0 : i32
    %dma_wait3A_100 = tpu.memref_slice %arg2[%dma_wait3A_98, %dma_wait3A_99] : memref<20000x64xf32, #tpu.memory_space<hbm>> -> memref<20000x64xf32, #tpu.memory_space<hbm>>
    tpu.wait_indirect_dma semaphore(%arg14 : memref<!tpu.dma_semaphore, #tpu.memory_space<semaphore_mem>>) src(%dma_wait3A_100 : memref<20000x64xf32, #tpu.memory_space<hbm>>) dst(%dma_wait3A_94 : memref<128x64xf32, #tpu.memory_space<vmem>>)
    %eq3A_101 = arith.constant 0 : i32
    %eq3A_102 = arith.cmpi eq, %arg0, %eq3A_101 : i32
    %convert_element_type3A = arith.extui %eq3A_102 : i1 to i32
    %cond3A = arith.constant 0 : i32
    %cond3A_103 = arith.cmpi ne, %convert_element_type3A, %cond3A : i32
    scf.if %cond3A_103 {
      %dma_start3A_112 = arith.constant 156 : i32
      %dma_start3A_113 = arith.constant 0 : i32
      %dma_start3A_114 = tpu.memref_slice %arg8[%dma_start3A_112, %dma_start3A_113] : memref<157x128xi32, #tpu.memory_space<vmem>> -> memref<1x128xi32, #tpu.memory_space<vmem>>
      %dma_start3A_115 = tpu.memref_squeeze %dma_start3A_114 : memref<1x128xi32, #tpu.memory_space<vmem>> -> memref<128xi32, #tpu.memory_space<vmem>>
      %dma_start3A_116 = arith.constant 0 : i32
      %dma_start3A_117 = arith.constant 0 : i32
      %dma_start3A_118 = tpu.memref_slice %arg13[%dma_start3A_116, %dma_start3A_117] : memref<10112x16xf32, #tpu.memory_space<vmem_shared>> -> memref<10112x16xf32, #tpu.memory_space<vmem_shared>>
      tpu.enqueue_indirect_dma source(%arg10 : memref<128x16xf32, #tpu.memory_space<vmem>>) target(%dma_start3A_118 : memref<10112x16xf32, #tpu.memory_space<vmem_shared>>) offsets(%dma_start3A_115 : memref<128xi32, #tpu.memory_space<vmem>>) semaphore(%arg18 : memref<!tpu.dma_semaphore, #tpu.memory_space<semaphore_mem>>) {add = true}
    } else {
    }
    %run_scoped3A_104 = arith.constant 0 : i32
    %run_scoped3A_105 = arith.constant 156 : i32
    "tpu.region"() ({
      %run_scoped3A_112 = tpu.sem_alloc : memref<!tpu.dma_semaphore, #tpu.memory_space<semaphore_mem>>
      %dma_start3A_113 = arith.constant 0 : i32
      %dma_start3A_114 = arith.constant 0 : i32
      %dma_start3A_115 = tpu.memref_slice %arg9[%run_scoped3A_104, %dma_start3A_113, %dma_start3A_114] : memref<4x128x64xf32, #tpu.memory_space<vmem>> -> memref<1x128x64xf32, #tpu.memory_space<vmem>>
      %dma_start3A_116 = tpu.memref_squeeze %dma_start3A_115 : memref<1x128x64xf32, #tpu.memory_space<vmem>> -> memref<128x64xf32, #tpu.memory_space<vmem>>
      %dma_start3A_117 = arith.constant 0 : i32
      %dma_start3A_118 = tpu.memref_slice %arg8[%run_scoped3A_105, %dma_start3A_117] : memref<157x128xi32, #tpu.memory_space<vmem>> -> memref<1x128xi32, #tpu.memory_space<vmem>>
      %dma_start3A_119 = tpu.memref_squeeze %dma_start3A_118 : memref<1x128xi32, #tpu.memory_space<vmem>> -> memref<128xi32, #tpu.memory_space<vmem>>
      %dma_start3A_120 = arith.constant 0 : i32
      %dma_start3A_121 = arith.constant 0 : i32
      %dma_start3A_122 = tpu.memref_slice %arg12[%dma_start3A_120, %dma_start3A_121] : memref<10112x64xf32, #tpu.memory_space<vmem_shared>> -> memref<10112x64xf32, #tpu.memory_space<vmem_shared>>
      tpu.enqueue_indirect_dma source(%dma_start3A_116 : memref<128x64xf32, #tpu.memory_space<vmem>>) target(%dma_start3A_122 : memref<10112x64xf32, #tpu.memory_space<vmem_shared>>) offsets(%dma_start3A_119 : memref<128xi32, #tpu.memory_space<vmem>>) semaphore(%run_scoped3A_112 : memref<!tpu.dma_semaphore, #tpu.memory_space<semaphore_mem>>) {add = true}
      %dma_wait3A_123 = arith.constant 0 : i32
      %dma_wait3A_124 = arith.constant 0 : i32
      %dma_wait3A_125 = tpu.memref_slice %arg9[%run_scoped3A_104, %dma_wait3A_123, %dma_wait3A_124] : memref<4x128x64xf32, #tpu.memory_space<vmem>> -> memref<1x128x64xf32, #tpu.memory_space<vmem>>
      %dma_wait3A_126 = tpu.memref_squeeze %dma_wait3A_125 : memref<1x128x64xf32, #tpu.memory_space<vmem>> -> memref<128x64xf32, #tpu.memory_space<vmem>>
      %dma_wait3A_127 = arith.constant 0 : i32
      %dma_wait3A_128 = tpu.memref_slice %arg8[%run_scoped3A_105, %dma_wait3A_127] : memref<157x128xi32, #tpu.memory_space<vmem>> -> memref<1x128xi32, #tpu.memory_space<vmem>>
      %dma_wait3A_129 = tpu.memref_squeeze %dma_wait3A_128 : memref<1x128xi32, #tpu.memory_space<vmem>> -> memref<128xi32, #tpu.memory_space<vmem>>
      %dma_wait3A_130 = arith.constant 0 : i32
      %dma_wait3A_131 = arith.constant 0 : i32
      %dma_wait3A_132 = tpu.memref_slice %arg12[%dma_wait3A_130, %dma_wait3A_131] : memref<10112x64xf32, #tpu.memory_space<vmem_shared>> -> memref<10112x64xf32, #tpu.memory_space<vmem_shared>>
      tpu.wait_indirect_dma semaphore(%run_scoped3A_112 : memref<!tpu.dma_semaphore, #tpu.memory_space<semaphore_mem>>) src(%dma_wait3A_126 : memref<128x64xf32, #tpu.memory_space<vmem>>) dst(%dma_wait3A_132 : memref<10112x64xf32, #tpu.memory_space<vmem_shared>>)
      tpu.yield
    }) : () -> ()
    %eq3A_106 = arith.constant 0 : i32
    %eq3A_107 = arith.cmpi eq, %arg0, %eq3A_106 : i32
    %convert_element_type3A_108 = arith.extui %eq3A_107 : i1 to i32
    %cond3A_109 = arith.constant 0 : i32
    %cond3A_110 = arith.cmpi ne, %convert_element_type3A_108, %cond3A_109 : i32
    scf.if %cond3A_110 {
      %dma_wait3A_112 = arith.constant 156 : i32
      %dma_wait3A_113 = arith.constant 0 : i32
      %dma_wait3A_114 = tpu.memref_slice %arg8[%dma_wait3A_112, %dma_wait3A_113] : memref<157x128xi32, #tpu.memory_space<vmem>> -> memref<1x128xi32, #tpu.memory_space<vmem>>
      %dma_wait3A_115 = tpu.memref_squeeze %dma_wait3A_114 : memref<1x128xi32, #tpu.memory_space<vmem>> -> memref<128xi32, #tpu.memory_space<vmem>>
      %dma_wait3A_116 = arith.constant 0 : i32
      %dma_wait3A_117 = arith.constant 0 : i32
      %dma_wait3A_118 = tpu.memref_slice %arg13[%dma_wait3A_116, %dma_wait3A_117] : memref<10112x16xf32, #tpu.memory_space<vmem_shared>> -> memref<10112x16xf32, #tpu.memory_space<vmem_shared>>
      tpu.wait_indirect_dma semaphore(%arg18 : memref<!tpu.dma_semaphore, #tpu.memory_space<semaphore_mem>>) src(%arg10 : memref<128x16xf32, #tpu.memory_space<vmem>>) dst(%dma_wait3A_118 : memref<10112x16xf32, #tpu.memory_space<vmem_shared>>)
    } else {
    }
    %barrier3A_111 = arith.constant 0 : index
    tpu.barrier barrier_id(%barrier3A_111)
    "tpu.region"() ({
      %run_scoped3A_112 = tpu.sem_alloc : memref<!tpu.dma_semaphore, #tpu.memory_space<semaphore_mem>>
      %dma_start3A_113 = arith.constant 0 : i32
      %dma_start3A_114 = tpu.memref_slice %arg5[%arg0, %mul3A_12, %dma_start3A_113] : memref<2x10112x64xf32, #tpu.memory_space<hbm>> -> memref<1x632x64xf32, #tpu.memory_space<hbm>>
      %dma_start3A_115 = tpu.memref_squeeze %dma_start3A_114 : memref<1x632x64xf32, #tpu.memory_space<hbm>> -> memref<632x64xf32, #tpu.memory_space<hbm>>
      %dma_start3A_116 = arith.constant 0 : i32
      %dma_start3A_117 = tpu.memref_slice %arg12[%mul3A_12, %dma_start3A_116] : memref<10112x64xf32, #tpu.memory_space<vmem_shared>> -> memref<632x64xf32, #tpu.memory_space<vmem_shared>>
      tpu.enqueue_dma source(%dma_start3A_117 : memref<632x64xf32, #tpu.memory_space<vmem_shared>>) target(%dma_start3A_115 : memref<632x64xf32, #tpu.memory_space<hbm>>) target_semaphore(%run_scoped3A_112 : memref<!tpu.dma_semaphore, #tpu.memory_space<semaphore_mem>>)
      %dma_wait3A_118 = arith.constant 0 : i32
      %dma_wait3A_119 = tpu.memref_slice %arg5[%arg0, %mul3A_12, %dma_wait3A_118] : memref<2x10112x64xf32, #tpu.memory_space<hbm>> -> memref<1x632x64xf32, #tpu.memory_space<hbm>>
      %dma_wait3A_120 = tpu.memref_squeeze %dma_wait3A_119 : memref<1x632x64xf32, #tpu.memory_space<hbm>> -> memref<632x64xf32, #tpu.memory_space<hbm>>
      %dma_wait3A_121 = arith.constant 0 : i32
      %dma_wait3A_122 = tpu.memref_slice %arg12[%mul3A_12, %dma_wait3A_121] : memref<10112x64xf32, #tpu.memory_space<vmem_shared>> -> memref<632x64xf32, #tpu.memory_space<vmem_shared>>
      tpu.wait_dma2 semaphore(%run_scoped3A_112 : memref<!tpu.dma_semaphore, #tpu.memory_space<semaphore_mem>>) src(%dma_wait3A_122 : memref<632x64xf32, #tpu.memory_space<vmem_shared>>) dst(%dma_wait3A_120 : memref<632x64xf32, #tpu.memory_space<hbm>>)
      tpu.yield
    }) : () -> ()
    "tpu.region"() ({
      %run_scoped3A_112 = tpu.sem_alloc : memref<!tpu.dma_semaphore, #tpu.memory_space<semaphore_mem>>
      %dma_start3A_113 = arith.constant 0 : i32
      %dma_start3A_114 = tpu.memref_slice %arg6[%arg0, %mul3A_12, %dma_start3A_113] : memref<2x10112x16xf32, #tpu.memory_space<hbm>> -> memref<1x632x16xf32, #tpu.memory_space<hbm>>
      %dma_start3A_115 = tpu.memref_squeeze %dma_start3A_114 : memref<1x632x16xf32, #tpu.memory_space<hbm>> -> memref<632x16xf32, #tpu.memory_space<hbm>>
      %dma_start3A_116 = arith.constant 0 : i32
      %dma_start3A_117 = tpu.memref_slice %arg13[%mul3A_12, %dma_start3A_116] : memref<10112x16xf32, #tpu.memory_space<vmem_shared>> -> memref<632x16xf32, #tpu.memory_space<vmem_shared>>
      tpu.enqueue_dma source(%dma_start3A_117 : memref<632x16xf32, #tpu.memory_space<vmem_shared>>) target(%dma_start3A_115 : memref<632x16xf32, #tpu.memory_space<hbm>>) target_semaphore(%run_scoped3A_112 : memref<!tpu.dma_semaphore, #tpu.memory_space<semaphore_mem>>)
      %dma_wait3A_118 = arith.constant 0 : i32
      %dma_wait3A_119 = tpu.memref_slice %arg6[%arg0, %mul3A_12, %dma_wait3A_118] : memref<2x10112x16xf32, #tpu.memory_space<hbm>> -> memref<1x632x16xf32, #tpu.memory_space<hbm>>
      %dma_wait3A_120 = tpu.memref_squeeze %dma_wait3A_119 : memref<1x632x16xf32, #tpu.memory_space<hbm>> -> memref<632x16xf32, #tpu.memory_space<hbm>>
      %dma_wait3A_121 = arith.constant 0 : i32
      %dma_wait3A_122 = tpu.memref_slice %arg13[%mul3A_12, %dma_wait3A_121] : memref<10112x16xf32, #tpu.memory_space<vmem_shared>> -> memref<632x16xf32, #tpu.memory_space<vmem_shared>>
      tpu.wait_dma2 semaphore(%run_scoped3A_112 : memref<!tpu.dma_semaphore, #tpu.memory_space<semaphore_mem>>) src(%dma_wait3A_122 : memref<632x16xf32, #tpu.memory_space<vmem_shared>>) dst(%dma_wait3A_120 : memref<632x16xf32, #tpu.memory_space<hbm>>)
      tpu.yield
    }) : () -> ()
    return
  }
}

module attributes {stable_mosaic.version = 14 : i64} {
  func.func @_tc_body(%arg0: i32, %arg1: memref<2x1000x64xf32, #tpu.memory_space<vmem>>, %arg2: memref<2x1000x16xf32, #tpu.memory_space<vmem>>, %arg3: memref<128x128xf32, #tpu.memory_space<vmem>>, %arg4: memref<1x128xf32, #tpu.memory_space<vmem>>, %arg5: memref<128x2xf32, #tpu.memory_space<vmem>>, %arg6: memref<1x2xf32, #tpu.memory_space<vmem>>, %arg7: memref<1000x2xf32, #tpu.memory_space<vmem>>) attributes {dimension_semantics = [#tpu.dimension_semantics<arbitrary>], iteration_bounds = array<i64: 10>, scalar_prefetch = 0 : i64, scratch_operands = 0 : i64, tpu.core_type = #tpu.core_type<tc>, window_params = [{transform_indices = @transform_0, window_bounds = array<i64: 2, 1000, 64>}, {transform_indices = @transform_1, window_bounds = array<i64: 2, 1000, 16>}, {pipeline_mode = #tpu.pipeline_mode<synchronous>, transform_indices = @transform_2, window_bounds = array<i64: 128, 128>}, {pipeline_mode = #tpu.pipeline_mode<synchronous>, transform_indices = @transform_3, window_bounds = array<i64: 1, 128>}, {pipeline_mode = #tpu.pipeline_mode<synchronous>, transform_indices = @transform_4, window_bounds = array<i64: 128, 2>}, {pipeline_mode = #tpu.pipeline_mode<synchronous>, transform_indices = @transform_5, window_bounds = array<i64: 1, 2>}, {transform_indices = @transform_6, window_bounds = array<i64: 1000, 2>}]} {
    %get3A = arith.constant 0 : index
    %get3A_0 = arith.constant 0 : index
    %get3A_1 = arith.constant 0 : index
    %get3A_2 = vector.load %arg1[%get3A, %get3A_0, %get3A_1] : memref<2x1000x64xf32, #tpu.memory_space<vmem>>, vector<1x1000x64xf32>
    %get3A_3 = vector.shape_cast %get3A_2 : vector<1x1000x64xf32> to vector<1000x64xf32>
    %get3A_4 = arith.constant 1 : index
    %get3A_5 = arith.constant 0 : index
    %get3A_6 = arith.constant 0 : index
    %get3A_7 = vector.load %arg1[%get3A_4, %get3A_5, %get3A_6] : memref<2x1000x64xf32, #tpu.memory_space<vmem>>, vector<1x1000x64xf32>
    %get3A_8 = vector.shape_cast %get3A_7 : vector<1x1000x64xf32> to vector<1000x64xf32>
    %concatenate3A = tpu.concatenate %get3A_3, %get3A_8 in 1 : vector<1000x64xf32>, vector<1000x64xf32> -> vector<1000x128xf32>
    %get3A_9 = arith.constant 0 : index
    %get3A_10 = arith.constant 0 : index
    %get3A_11 = arith.constant 0 : index
    %get3A_12 = vector.load %arg2[%get3A_9, %get3A_10, %get3A_11] : memref<2x1000x16xf32, #tpu.memory_space<vmem>>, vector<1x1000x16xf32>
    %get3A_13 = vector.shape_cast %get3A_12 : vector<1x1000x16xf32> to vector<1000x16xf32>
    %get3A_14 = arith.constant 1 : index
    %get3A_15 = arith.constant 0 : index
    %get3A_16 = arith.constant 0 : index
    %get3A_17 = vector.load %arg2[%get3A_14, %get3A_15, %get3A_16] : memref<2x1000x16xf32, #tpu.memory_space<vmem>>, vector<1x1000x16xf32>
    %get3A_18 = vector.shape_cast %get3A_17 : vector<1x1000x16xf32> to vector<1000x16xf32>
    %add3A = arith.addf %get3A_13, %get3A_18 : vector<1000x16xf32>
    %reduce_sum3A = arith.constant dense<0.000000e+00> : vector<1000xf32>
    %reduce_sum3A_19 = vector.multi_reduction <add>, %add3A, %reduce_sum3A [1] : vector<1000x16xf32> to vector<1000xf32>
    %broadcast_in_dim3A = vector.shape_cast %reduce_sum3A_19 : vector<1000xf32> to vector<1000x1xf32>
    %max3A = arith.constant 1.000000e+00 : f32
    %max3A_20 = vector.broadcast %max3A : f32 to vector<1000x1xf32>
    %max3A_21 = arith.maximumf %broadcast_in_dim3A, %max3A_20 : vector<1000x1xf32>
    %div3A = vector.broadcast %max3A_21 : vector<1000x1xf32> to vector<1000x128xf32>
    %div3A_22 = arith.divf %concatenate3A, %div3A : vector<1000x128xf32>
    %get3A_23 = arith.constant 0 : index
    %get3A_24 = arith.constant 0 : index
    %get3A_25 = vector.load %arg3[%get3A_23, %get3A_24] : memref<128x128xf32, #tpu.memory_space<vmem>>, vector<128x128xf32>
    %dot_general3A = arith.constant dense<0.000000e+00> : vector<1000x128xf32>
    %dot_general3A_26 = tpu.matmul %div3A_22, %get3A_25, %dot_general3A {dimension_numbers = #tpu.dot_dimension_numbers<[1], [0], [0], [1], [0, 0, 1, 1], [], []>, transpose_lhs_hint = false} : vector<1000x128xf32>, vector<128x128xf32>, vector<1000x128xf32> -> vector<1000x128xf32>
    %get3A_27 = arith.constant 0 : index
    %get3A_28 = arith.constant 0 : index
    %get3A_29 = vector.load %arg4[%get3A_27, %get3A_28] : memref<1x128xf32, #tpu.memory_space<vmem>>, vector<1x128xf32>
    %add3A_30 = vector.broadcast %get3A_29 : vector<1x128xf32> to vector<1000x128xf32>
    %add3A_31 = arith.addf %dot_general3A_26, %add3A_30 : vector<1000x128xf32>
    %max3A_32 = arith.constant 0.000000e+00 : f32
    %max3A_33 = vector.broadcast %max3A_32 : f32 to vector<1000x128xf32>
    %max3A_34 = arith.maximumf %add3A_31, %max3A_33 : vector<1000x128xf32>
    %get3A_35 = arith.constant 0 : index
    %get3A_36 = arith.constant 0 : index
    %get3A_37 = vector.load %arg5[%get3A_35, %get3A_36] : memref<128x2xf32, #tpu.memory_space<vmem>>, vector<128x2xf32>
    %dot_general3A_38 = arith.constant dense<0.000000e+00> : vector<1000x2xf32>
    %dot_general3A_39 = tpu.matmul %max3A_34, %get3A_37, %dot_general3A_38 {dimension_numbers = #tpu.dot_dimension_numbers<[1], [0], [0], [1], [0, 0, 1, 1], [], []>, transpose_lhs_hint = false} : vector<1000x128xf32>, vector<128x2xf32>, vector<1000x2xf32> -> vector<1000x2xf32>
    %get3A_40 = arith.constant 0 : index
    %get3A_41 = arith.constant 0 : index
    %get3A_42 = vector.load %arg6[%get3A_40, %get3A_41] : memref<1x2xf32, #tpu.memory_space<vmem>>, vector<1x2xf32>
    %add3A_43 = vector.broadcast %get3A_42 : vector<1x2xf32> to vector<1000x2xf32>
    %add3A_44 = arith.addf %dot_general3A_39, %add3A_43 : vector<1000x2xf32>
    %reduce_max3A = arith.constant dense<0xFF800000> : vector<1000xf32>
    %reduce_max3A_45 = vector.multi_reduction <maximumf>, %add3A_44, %reduce_max3A [1] : vector<1000x2xf32> to vector<1000xf32>
    %broadcast_in_dim3A_46 = vector.shape_cast %reduce_max3A_45 : vector<1000xf32> to vector<1000x1xf32>
    %sub3A = vector.broadcast %broadcast_in_dim3A_46 : vector<1000x1xf32> to vector<1000x2xf32>
    %sub3A_47 = arith.subf %add3A_44, %sub3A : vector<1000x2xf32>
    %sub3A_48 = vector.broadcast %broadcast_in_dim3A_46 : vector<1000x1xf32> to vector<1000x2xf32>
    %sub3A_49 = arith.subf %add3A_44, %sub3A_48 : vector<1000x2xf32>
    %exp3A = math.exp %sub3A_49 : vector<1000x2xf32>
    %reduce_sum3A_50 = arith.constant dense<0.000000e+00> : vector<1000xf32>
    %reduce_sum3A_51 = vector.multi_reduction <add>, %exp3A, %reduce_sum3A_50 [1] : vector<1000x2xf32> to vector<1000xf32>
    %broadcast_in_dim3A_52 = vector.shape_cast %reduce_sum3A_51 : vector<1000xf32> to vector<1000x1xf32>
    %log3A = math.log %broadcast_in_dim3A_52 : vector<1000x1xf32>
    %sub3A_53 = vector.broadcast %log3A : vector<1000x1xf32> to vector<1000x2xf32>
    %sub3A_54 = arith.subf %sub3A_47, %sub3A_53 : vector<1000x2xf32>
    %swap3A = arith.constant 0 : index
    %swap3A_55 = arith.constant 0 : index
    %swap3A_56 = vector.load %arg7[%swap3A, %swap3A_55] : memref<1000x2xf32, #tpu.memory_space<vmem>>, vector<1000x2xf32>
    tpu.vector_store %arg7[%swap3A, %swap3A_55], %sub3A_54 {strides = array<i32>} : memref<1000x2xf32, #tpu.memory_space<vmem>>, vector<1000x2xf32>,
    return
  }
  func.func @transform_0(%arg0: i32) -> (i32, i32, i32) {
    %c0_i32 = arith.constant 0 : i32
    %c0_i32_0 = arith.constant 0 : i32
    %c0_i32_1 = arith.constant 0 : i32
    return %c0_i32, %arg0, %c0_i32_0 : i32, i32, i32
  }
  func.func @transform_1(%arg0: i32) -> (i32, i32, i32) {
    %c0_i32 = arith.constant 0 : i32
    %c0_i32_0 = arith.constant 0 : i32
    %c0_i32_1 = arith.constant 0 : i32
    return %c0_i32, %arg0, %c0_i32_0 : i32, i32, i32
  }
  func.func @transform_2(%arg0: i32) -> (i32, i32) {
    %c0_i32 = arith.constant 0 : i32
    %c0_i32_0 = arith.constant 0 : i32
    %c0_i32_1 = arith.constant 0 : i32
    return %c0_i32, %c0_i32_0 : i32, i32
  }
  func.func @transform_3(%arg0: i32) -> (i32, i32) {
    %c0_i32 = arith.constant 0 : i32
    %c0_i32_0 = arith.constant 0 : i32
    %c0_i32_1 = arith.constant 0 : i32
    return %c0_i32, %c0_i32_0 : i32, i32
  }
  func.func @transform_4(%arg0: i32) -> (i32, i32) {
    %c0_i32 = arith.constant 0 : i32
    %c0_i32_0 = arith.constant 0 : i32
    %c0_i32_1 = arith.constant 0 : i32
    return %c0_i32, %c0_i32_0 : i32, i32
  }
  func.func @transform_5(%arg0: i32) -> (i32, i32) {
    %c0_i32 = arith.constant 0 : i32
    %c0_i32_0 = arith.constant 0 : i32
    %c0_i32_1 = arith.constant 0 : i32
    return %c0_i32, %c0_i32_0 : i32, i32
  }
  func.func @transform_6(%arg0: i32) -> (i32, i32) {
    %c0_i32 = arith.constant 0 : i32
    %c0_i32_0 = arith.constant 0 : i32
    return %arg0, %c0_i32 : i32, i32
  }
}

</mosaic_0001>

<sc_bundles>
// kernel: kernel.4.cloned.1.call-start
scs
__scs_entry_jumppad:
0x0: {  	(pc) =	sbr.rel $0x88, $3  }
0x1: {  	(tag) =	ssettag $0x0;
	lr =	simm.s32 $0x1  }
0x2: {  	[smem:$0x3F9B] =	sst lr;
	_ =	strace $0xD0000000  }
0x3: {  	_ = 	snop  }
0x4: {  	_ = 	snop  }
0x5: {  	_ = 	snop  }
0x6: {  	_ = 	snop  }
0x7: {  	_ = 	snop  }
__scs_overlays_trampoline_lowered:
0x8: {  	[smem:$0x3FAA] =	sst s0  }
0x9: {  	[smem:$0x3FAB] =	sst s1  }
0xa: {  	[smem:$0x3FAC] =	sst s2  }
0xb: {  	[smem:$0x3FAD] =	sst s3  }
0xc: {  	[smem:$0x3FAE] =	sst s4  }
0xd: {  	[smem:$0x3FAF] =	sst s5  }
0xe: {  	[smem:$0x3FB0] =	sst s6  }
0xf: {  	[smem:$0x3FB1] =	sst s7  }
0x10: {  	[smem:$0x3FB2] =	sst s8  }
0x11: {  	[smem:$0x3FB3] =	sst s9;
	s0 =	simm.s32 @!p0 $0x0  }
0x12: {  	s1 =	sld [smem:$0x3F99];
	s0 =	simm.s32 @p0 $0x1  }
0x13: {  	[smem:$0x3FB4] =	sst s0;
	s0 =	simm.s32 @!p1 $0x0  }
0x14: {  	s2 =	sld [smem:$0x3F98];
	s0 =	simm.s32 @p1 $0x1  }
0x15: {  	[smem:$0x3FB5] =	sst s0;
	s0 =	simm.s32 @!p2 $0x0  }
0x16: {  	s3 =	sld [smem:$0x3FDB];
	s0 =	simm.s32 @p2 $0x1  }
0x17: {  	s4 =	simm.s32 $0x1BF5;
	[smem:$0x3FB7] =	sst s0  }
0x18: {  	s0 =	sld [smem:$0x3F9A];
	_ =	swait.ge [sflag:s4], $0x0  }
0x19: {  	s7 =	sld [smem:$0x3F9B]  }
0x1a: {  	s8 =	sadd.s32 $0xFFFFE003, lr  }
0x1b: {  	s9 =	sadd.s32 $0xFFFFFEF7, lr;
	s5 =	simm.s32 $0xFFFFFFFF;
	p2 =	slt.u32 s8, $0xFFFFF086  }
0x1c: {  	p1 =	slt.u32 s9, $0xF7A;
	s5 =	simm.s32 @!p2 $0x0  }
0x1d: {  	s5 =	simm.s32 @p1 $0x1;
	p0 =	seq.s32 s7, s2  }
0x1e: {  	s7 =	smul.u32 @!p0 $0xF7A, s2;
	p2 =	seq.s32 @!p0 s5, $0x0  }
0x1f: {  	s9 =	smul.u32 $0xF7A, s1;
	s8 =	simm.s32 @!p0 $0x1BF5;
	p2 =	por !p2, p0  }
0x20: {  	[sflag:s8] =	ssyncset.s32 @!p0 $0xFFFFF086;
	s6 =	sadd.s32 @!p0 s3, s7;
	s7 =	simm.s32 @!p0 $0x108  }
0x21: {  	s3 =	sadd.s32 s3, s9;
	s6 =	sadd.s32 @!p0 $0x88, s6;
	s7 =	simm.s32 @p2 $0x1082  }
0x22: {  	[simem:s7], [sflag:s8] =	dma.local @!p0 [hbm:s6], $0xF7A  }
0x23: {  	s9 =	sor.u32 $0xD0000000, s2;
	s6 =	simm.s32 $0x108;
	_ =	swait.ge @!p0 [sflag:s8], $0x0  }
0x24: {  	s3 =	sadd.s32 $0x88, s3;
	s6 =	simm.s32 @!p1 $0x1082;
	[sflag:s4] =	ssyncset.s32 $0xFFFFF086  }
0x25: {  	[simem:s6], [sflag:s4] =	dma.local [hbm:s3], $0xF7A  }
0x26: {  	[smem:$0x3F9B] =	sst s1;
	(tag) =	ssettag s2;
	_ =	strace s9  }
0x27: {  	s1 =	sld [smem:$0x3FAB]  }
0x28: {  	s2 =	sld [smem:$0x3FAC]  }
0x29: {  	s4 =	sld [smem:$0x3FAE]  }
0x2a: {  	p0 =	seq.s32 s5, $0x0;
	s5 =	sld [smem:$0x3FAF]  }
0x2b: {  	s6 =	sld [smem:$0x3FB0]  }
0x2c: {  	s7 =	sld [smem:$0x3FB1]  }
0x2d: {  	s3 =	simm.s32 $0x108;
	s8 =	sld [smem:$0x3FB2]  }
0x2e: {  	s3 =	simm.s32 @!p0 $0x1082;
	s9 =	sld [smem:$0x3FB3]  }
0x2f: {  	lr =	sadd.s32 s0, s3;
	s0 =	sld [smem:$0x3FAA]  }
0x30: {  	s3 =	sld [smem:$0x3FAD]  }
0x31: {  	[smem:$0x3FB6] =	sst s10  }
0x32: {  	s10 =	sld [smem:$0x3FB4];
	_ =	sdelay $0x3  }
0x33: {  	p0 =	seq.s32 s10, $0x1;
	s10 =	sld [smem:$0x3FB6];
	_ =	sdelay $0x3  }
0x34: {  	[smem:$0x3FB6] =	sst s10  }
0x35: {  	s10 =	sld [smem:$0x3FB5];
	_ =	sdelay $0x3  }
0x36: {  	p1 =	seq.s32 s10, $0x1;
	s10 =	sld [smem:$0x3FB6];
	_ =	sdelay $0x3  }
0x37: {  	[smem:$0x3FB6] =	sst s10  }
0x38: {  	s10 =	sld [smem:$0x3FB7]  }
0x39: {  	_ = 	snop;
	(pc) =	sbr.ind lr, $3  }
0x3a: {  	_ = 	snop  }
0x3b: {  	_ = 	snop  }
0x3c: {  	p2 =	seq.s32 s10, $0x1;
	s10 =	sld [smem:$0x3FB6]  }
0x3d: {  	_ =	shalt  }
0x3e: {  	_ =	shalt  }
0x3f: {  	_ =	shalt  }
0x40: {  	_ =	shalt  }
0x41: {  	_ =	shalt  }
0x42: {  	_ =	shalt  }
0x43: {  	_ =	shalt  }
0x44: {  	_ =	shalt  }
0x45: {  	_ =	shalt  }
0x46: {  	_ =	shalt  }
0x47: {  	_ =	shalt  }
0x48: {  	_ =	shalt  }
0x49: {  	_ =	shalt  }
0x4a: {  	_ =	shalt  }
0x4b: {  	_ =	shalt  }
0x4c: {  	_ =	shalt  }
0x4d: {  	_ =	shalt  }
0x4e: {  	_ =	shalt  }
0x4f: {  	_ =	shalt  }
0x50: {  	_ =	shalt  }
0x51: {  	_ =	shalt  }
0x52: {  	_ =	shalt  }
0x53: {  	_ =	shalt  }
0x54: {  	_ =	shalt  }
0x55: {  	_ =	shalt  }
0x56: {  	_ =	shalt  }
0x57: {  	_ =	shalt  }
0x58: {  	_ =	shalt  }
0x59: {  	_ =	shalt  }
0x5a: {  	_ =	shalt  }
0x5b: {  	_ =	shalt  }
0x5c: {  	_ =	shalt  }
0x5d: {  	_ =	shalt  }
0x5e: {  	_ =	shalt  }
0x5f: {  	_ =	shalt  }
0x60: {  	_ =	shalt  }
0x61: {  	_ =	shalt  }
0x62: {  	_ =	shalt  }
0x63: {  	_ =	shalt  }
0x64: {  	_ =	shalt  }
0x65: {  	_ =	shalt  }
0x66: {  	_ =	shalt  }
0x67: {  	_ =	shalt  }
0x68: {  	_ =	shalt  }
0x69: {  	_ =	shalt  }
0x6a: {  	_ =	shalt  }
0x6b: {  	_ =	shalt  }
0x6c: {  	_ =	shalt  }
0x6d: {  	_ =	shalt  }
0x6e: {  	_ =	shalt  }
0x6f: {  	_ =	shalt  }
0x70: {  	_ =	shalt  }
0x71: {  	_ =	shalt  }
0x72: {  	_ =	shalt  }
0x73: {  	_ =	shalt  }
0x74: {  	_ =	shalt  }
0x75: {  	_ =	shalt  }
0x76: {  	_ =	shalt  }
0x77: {  	_ =	shalt  }
0x78: {  	_ =	shalt  }
0x79: {  	_ =	shalt  }
0x7a: {  	_ =	shalt  }
0x7b: {  	_ =	shalt  }
0x7c: {  	_ =	shalt  }
0x7d: {  	_ =	shalt  }
0x7e: {  	_ =	shalt  }
0x7f: {  	_ =	shalt  }
0x80: {  	_ =	shalt  }
0x81: {  	_ =	shalt  }
0x82: {  	_ =	shalt  }
0x83: {  	_ =	shalt  }
0x84: {  	_ =	shalt  }
0x85: {  	_ =	shalt  }
0x86: {  	_ =	shalt  }
0x87: {  	_ =	shalt  }
.Lfunc_end0:
.L_simem_size_0:
called_computation_lowered:
.L_overlay_start_0:
0x88: {  	s2 =	sld [smem:$0x3FD9]  }
0x89: {  	s3 =	sld [smem:$0x3FFE];
	_ =	sdelay $0x1  }
0x8a: {  	s1 =	srdreg.scid  }
0x8b: {  	s0 =	sand.u32 $0x1, s1  }
0x8c: {  	s17 =	sshll.u32 s0, $0xA;
	s2 =	sadd.s32 s3, s2  }
0x8d: {  	s2 =	sadd.s32 s2, s17  }
0x8e: {  	[smem:$0x3FC2] =	sst s2  }
0x8f: {  	_ = 	snop  }
0x90: {  	s2 =	sld [smem:$0x3FC9];
	(tm) =	ssettm $0x1  }
0x91: {  	s18 =	sld [smem:$0x3FFB];
	_ =	sdelay $0x3  }
0x92: {  	_ =	strace s18  }
0x93: {  	s3 =	sld [smem:$0x3FFC];
	_ =	sdelay $0x3  }
0x94: {  	_ =	strace s3  }
0x95: {  	s3 =	sld [smem:$0x3FFD];
	_ =	sdelay $0x3  }
0x96: {  	_ =	strace s3  }
0x97: {  	_ =	strace $0x8FFFFFFF  }
0x98: {  	s19 =	sld [smem:$0x3FDB];
	_ =	sdelay $0x1  }
0x99: {  	s4 =	simm.s32 $_scs_section_size  }
0x9a: {  	s5 =	simm.s32 $_size__tile_overlayer_lowered;
	s6 =	simm.s32 $_tile_overlayer_lowered  }
0x9b: {  	s22 =	simm.s32 $0x1BFF;
	s21 =	sshll.u32 s6, $0x1;
	s3 =	sadd.s32 s4, s19  }
0x9c: {  	s7 =	simm.s32 $0x0;
	s20 =	sshll.u32 s5, $0x1;
	s5 =	sadd.s32 s21, s3  }
0x9d: {  	[timem:s7], [sflag:s22] =	dma.local [hbm:s5], s20  }
0x9e: {  	_ =	swait.ge [sflag:s22], s20  }
0x9f: {  	s4 =	ssub.s32 $0x0, s20;
	[sflag:s22] =	ssyncset.done $0x0  }
0xa0: {  	[sflag:s22] =	ssyncadd.s32 s4;
	_ =	sdelay $0x1  }
0xa1: {  	s23 =	simm.s32 $0x1B8B  }
0xa2: {  	_ =	swait.ge [sflag:s23], $0x1  }
0xa3: {  	[sflag:s23] =	ssyncset.done $0x0  }
0xa4: {  	s25 =	simm.s32 $0x1B8E;
	s24 =	sld [smem:$0x3FFE];
	[sflag:s23] =	ssyncadd.s32 $0xFFFFFFFF  }
0xa5: {  	s26 =	simm.s32 $execute0_lowered;
	[smem:$0x3FD2] =	sst s25  }
0xa6: {  	s5 =	sshll.u32 s26, $0x1;
	_ =	strace $0x80000046;
	[dreg:$0x1] =	wrdreg $0xFFFFFFFF  }
0xa7: {  	s28 =	simm.s32 $_size_execute0_lowered;
	s3 =	sadd.s32 s3, s5;
	[dreg:$0x0] =	wrdreg $0x0  }
0xa8: {  	s5 =	sshll.u32 s28, $0x1;
	[dreg:$0x2] =	wrdreg s3  }
0xa9: {  	[dreg:$0x3] =	wrdreg s5  }
0xaa: {  	[dreg:$0x4] =	wrdreg $0xC0  }
0xab: {  	_ =	task [dreg:s7], $0x5FFFF  }
0xac: {  	[dreg:$0x1] =	wrdreg $0xFFFFFFFF  }
0xad: {  	[dreg:$0x0] =	wrdreg $0x60  }
0xae: {  	[dreg:$0x2] =	wrdreg s2  }
0xaf: {  	[dreg:$0x3] =	wrdreg s24  }
0xb0: {  	[dreg:$0x4] =	wrdreg $0x12D000  }
0xb1: {  	[dreg:$0x5] =	wrdreg $0x1CB000  }
0xb2: {  	[dreg:$0x6] =	wrdreg $0x9  }
0xb3: {  	_ =	task.clear_ibuf [dreg:s7], $0x7FFFF;
	_ =	strace $0x90000046  }
0xb4: {  	s29 =	simm.s32 $0x9;
	_ =	strace $0x80000048  }
0xb5: {  	_ =	swait.ge [sflag:s29], $0x1  }
0xb6: {  	[sflag:s29] =	ssyncadd.s32 $0xFFFFFFFF  }
0xb7: {  	_ =	strace $0x90000048  }
0xb8: {  	_ =	sfence  }
0xb9: {  	s30 =	sld [smem:$0x0];
	_ =	sdelay $0x2  }
0xba: {  	s31 =	sshll.u32 s1, $0xD;
	s1 =	sshrl.u32 s1, $0x2  }
0xbb: {  	s3 =	sand.u32 $0x4000, s31;
	s1 =	sadd.s32 s1, s30  }
0xbc: {  	s0 =	sor.u32 s3, s0;
	s1 =	sshll.u32 s1, $0x11  }
0xbd: {  	s0 =	sor.u32 s1, s0  }
0xbe: {  	s0 =	sadd.s32 $0x8F2B, s0  }
0xbf: {  	[sflag:s0] =	ssyncadd.remote.s32 $0x1  }
0xc0: {  	_ =	sfence.sel $0xFFFF  }
0xc1: {  	[dreg:$0x0] =	wrdreg $0xFFFFFFFF;
	(pc) =	sbr.abs _section_cstart, $3  }
0xc2: {  	[dreg:$0x1] =	wrdreg $0xFFFFFFFF  }
0xc3: {  	_ =	task.clear_ibuf [dreg:s7], $0x2FFFF;
	_ =	strace $0x9FFFFFFF  }
0xc4: {  	(tm) =	ssettm $0x7FFFFFFF  }
0xc5: {  	_ =	shalt  }
tec
execute0_lowered:
.L_overlay_start_1:
0x0: {  	(tag) =	ssettag $0x1  }
0x1: {  	s5 =	stileid.u32  }
0x2: {  	s0 =	srdreg.scid;
	s8 =	smul.u32 $0x9D0, s5  }
0x3: {  	s1 =	rddreg [dreg:$0x0];
	s7 =	smul.u32 $0x9E00, s5  }
0x4: {  	s6 =	rddreg [dreg:$0x1];
	s10 =	smul.u32 $0x2780, s5  }
0x5: {  	s3 =	rddreg [dreg:$0x2];
	s0 =	sand.u32 $0x1, s0;
	s14 =	smul.u32 $0x278, s5  }
0x6: {  	s4 =	rddreg [dreg:$0x3];
	s16 =	simm.s32 $0x0;
	s2 =	smul.u32 $0x9D00, s0  }
0x7: {  	s29 =	simm.s32 $0xDD00;
	s31 =	simm.s32 $0xFD00;
	s9 =	smul.u32 $0x9E000, s0  }
0x8: {  	s28 =	simm.s32 $0x4;
	[smem:$0x7FF] =	sst s16;
	s11 =	smul.u32 $0x27800, s0  }
0x9: {  	_ =	strace $0x80000047;
	s13 =	ssub.s32 $0x2, s0;
	p0 =	sne.s32 s0, $0x0  }
0xa: {  	p1 =	seq.s32 s0, $0x0;
	s12 =	sadd.s32 s8, s6;
	s19 =	sshrl.u32 s13, $0x1  }
0xb: {  	s20 =	sadd.s32 $0x80, s14;
	s17 =	sadd.s32 s10, s4;
	s24 =	sadd.s32 $0x100, s14  }
0xc: {  	s15 =	sadd.s32 $0x180, s14;
	s2 =	sadd.s32 s2, s6;
	s9 =	sadd.s32 s7, s9  }
0xd: {  	s11 =	sadd.s32 s10, s11;
	s7 =	sadd.s32 s7, s3;
	s21 =	sshll.u32 s20, $0x6  }
0xe: {  	s25 =	sshll.u32 s24, $0x6;
	s10 =	sshll.u32 s24, $0x4;
	s18 =	sshll.u32 s15, $0x4  }
0xf: {  	s24 =	sadd.s32 $0x14600, s12;
	[dreg:$0x7] =	wrdreg s17;
	s9 =	sshrl.u32 s9, $0x3  }
0x10: {  	s11 =	sshrl.u32 s11, $0x3;
	s22 =	sadd.s32 s21, s3;
	[dreg:$0x10] =	wrdreg s24  }
0x11: {  	s26 =	sadd.s32 s25, s3;
	s30 =	sadd.s32 s10, s4;
	[dreg:$0x6] =	wrdreg s7  }
0x12: {  	s2 =	sadd.s32 $0xC00, s2;
	s9 =	sadd.s32 s9, s6;
	[dreg:$0x8] =	wrdreg s22  }
0x13: {  	s6 =	sadd.s32 s11, s6;
	s11 =	ssub.s32 s13, s19;
	[dreg:$0xa] =	wrdreg s26  }
0x14: {  	s13 =	sshll.u32 s20, $0x4;
	[dreg:$0xb] =	wrdreg s30;
	s20 =	sadd.s32 s18, s4  }
0x15: {  	s0 =	simm.s32 $0x2;
	s2 =	sadd.s32 s8, s2;
	[dreg:$0xd] =	wrdreg s20  }
0x16: {  	s5 =	sshll.u32 s15, $0x6;
	s23 =	sadd.s32 s13, s4;
	[dreg:$0x14] =	wrdreg s2  }
0x17: {  	s24 =	simm.s32 $0x3;
	s13 =	sadd.s32 s5, s3;
	[dreg:$0x9] =	wrdreg s23  }
0x18: {  	s19 =	sadd.s32 $0x200, s14;
	s25 =	sadd.s32 $0x1E400, s9;
	[dreg:$0xc] =	wrdreg s13  }
0x19: {  	s21 =	sshll.u32 s19, $0x6;
	s26 =	sadd.s32 $0x45C00, s6;
	[dreg:$0x11] =	wrdreg s25  }
0x1a: {  	s30 =	smax.u32 s11, $0x1;
	s2 =	simm.s32 $0x1;
	[dreg:$0x12] =	wrdreg s26  }
0x1b: {  	s13 =	sshll.u32 s19, $0x4;
	s22 =	sadd.s32 s21, s3;
	[dreg:$0x13] =	wrdreg s30  }
0x1c: {  	v0 =	vimm.f32 $0.0e+00;
	vm0 =	vcmask $0x300;
	s21 =	simm.s32 $0x6;
	[dreg:$0xe] =	wrdreg s22;
	s23 =	sadd.s32 s13, s4  }
0x1d: {  	v1 =	vsel vm0, $0x3F800000, v0;
	s25 =	simm.s32 $0x80;
	s26 =	simm.s32 $0xBD00;
	[dreg:$0xf] =	wrdreg s23  }
.LBB2_1:
0x1e: {  	s6 =	simm.s32 $0x9D20  }
0x1f: {  	[tilespmem:s6+$0xFFFFFFE0] =	vst v0  }
0x20: {  	[tilespmem:s6+$0x10] =	vst v0  }
0x21: {  	[tilespmem:s6+$0x0] =	vst v0  }
0x22: {  	[dreg:$0x5] =	wrdreg s16;
	s8 =	simm.s32 $0x40;
	s9 =	simm.s32 $0x0;
	[tilespmem:s6+$0xFFFFFFF0] =	vst v0  }
.LBB2_2:
0x23: {  	p2 =	sne.s32 s8, $0x1FC0  }
0x24: {  	[tilespmem:s9+$0x11D00] =	vst v1;
	s6 =	sadd.s32 $0x40, s6;
	s10 =	smov.u32 s8;
	s8 =	sadd.s32 $0x40, s8  }
.Ltmp0:
0x25: {  	[tilespmem:s9+$0x12500] =	vst v0;
	(pc) =	sbr.rel @p2 .LBB2_2-.Ltmp0, $4  }
0x26: {  	[tilespmem:s6+$0xFFFFFFE0] =	vst v0  }
0x27: {  	[tilespmem:s6+$0x10] =	vst v0  }
0x28: {  	[tilespmem:s6+$0x0] =	vst v0  }
0x29: {  	s9 =	sshra.s32 s10, $0x2;
	[tilespmem:s6+$0xFFFFFFF0] =	vst v0  }
0x2a: {  	[tilespmem:s9+$0x11D00] =	vst v1  }
0x2b: {  	[tilespmem:s9+$0x12500] =	vst v0;
	s8 =	simm.s32 $0x9D00  }
0x2c: {  	[spmem:s7] =	stream.linear.scatter [tilespmem:s8], [sflag:$0x6], $0x2000, $0x38;
	[tilespmem:$0x1F280] =	vst v63  }
0x2d: {  	_ =	swait.ge [sflag:s21], $0x2000  }
0x2e: {  	[sflag:s21] =	ssyncset.done $0x0  }
0x2f: {  	s6 =	simm.s32 $0x12500;
	[sflag:s21] =	ssyncadd.s32 $0xFFFFE000  }
0x30: {  	[spmem:s17] =	stream.linear.scatter [tilespmem:s6], [sflag:$0x6], $0x800, $0x38;
	[tilespmem:$0x1F280] =	vst v63  }
0x31: {  	_ =	swait.ge [sflag:s21], $0x800  }
0x32: {  	[sflag:s21] =	ssyncset.done $0x0  }
0x33: {  	s5 =	rddreg [dreg:$0x8];
	[sflag:s21] =	ssyncadd.s32 $0xFFFFF800  }
0x34: {  	[spmem:s5] =	stream.linear.scatter [tilespmem:s8], [sflag:$0x6], $0x2000, $0x38;
	[tilespmem:$0x1F280] =	vst v63  }
0x35: {  	_ =	swait.ge [sflag:s21], $0x2000  }
0x36: {  	[sflag:s21] =	ssyncset.done $0x0  }
0x37: {  	s23 =	rddreg [dreg:$0x9];
	[sflag:s21] =	ssyncadd.s32 $0xFFFFE000  }
0x38: {  	[spmem:s23] =	stream.linear.scatter [tilespmem:s6], [sflag:$0x6], $0x800, $0x38;
	[tilespmem:$0x1F280] =	vst v63  }
0x39: {  	_ =	swait.ge [sflag:s21], $0x800  }
0x3a: {  	[sflag:s21] =	ssyncset.done $0x0  }
0x3b: {  	s7 =	rddreg [dreg:$0xa];
	[sflag:s21] =	ssyncadd.s32 $0xFFFFF800  }
0x3c: {  	[spmem:s7] =	stream.linear.scatter [tilespmem:s8], [sflag:$0x6], $0x2000, $0x38;
	[tilespmem:$0x1F280] =	vst v63  }
0x3d: {  	_ =	swait.ge [sflag:s21], $0x2000  }
0x3e: {  	[sflag:s21] =	ssyncset.done $0x0  }
0x3f: {  	s9 =	rddreg [dreg:$0xb];
	[sflag:s21] =	ssyncadd.s32 $0xFFFFE000  }
0x40: {  	[spmem:s9] =	stream.linear.scatter [tilespmem:s6], [sflag:$0x6], $0x800, $0x38;
	[tilespmem:$0x1F280] =	vst v63  }
0x41: {  	_ =	swait.ge [sflag:s21], $0x800  }
0x42: {  	[sflag:s21] =	ssyncset.done $0x0  }
0x43: {  	s10 =	rddreg [dreg:$0xc];
	[sflag:s21] =	ssyncadd.s32 $0xFFFFF800  }
0x44: {  	[spmem:s10] =	stream.linear.scatter [tilespmem:s8], [sflag:$0x6], $0x2000, $0x38;
	[tilespmem:$0x1F280] =	vst v63  }
0x45: {  	_ =	swait.ge [sflag:s21], $0x2000  }
0x46: {  	[sflag:s21] =	ssyncset.done $0x0  }
0x47: {  	s11 =	rddreg [dreg:$0xd];
	[sflag:s21] =	ssyncadd.s32 $0xFFFFE000  }
0x48: {  	[spmem:s11] =	stream.linear.scatter [tilespmem:s6], [sflag:$0x6], $0x800, $0x38;
	[tilespmem:$0x1F280] =	vst v63  }
0x49: {  	_ =	swait.ge [sflag:s21], $0x800  }
0x4a: {  	[sflag:s21] =	ssyncset.done $0x0  }
0x4b: {  	s12 =	rddreg [dreg:$0xe];
	[sflag:s21] =	ssyncadd.s32 $0xFFFFF800  }
0x4c: {  	[spmem:s12] =	stream.linear.scatter [tilespmem:s8], [sflag:$0x6], $0x1E00, $0x38;
	[tilespmem:$0x1F280] =	vst v63  }
0x4d: {  	_ =	swait.ge [sflag:s21], $0x1E00  }
0x4e: {  	[sflag:s21] =	ssyncset.done $0x0  }
0x4f: {  	s13 =	rddreg [dreg:$0xf];
	[sflag:s21] =	ssyncadd.s32 $0xFFFFE200  }
0x50: {  	[spmem:s13] =	stream.linear.scatter [tilespmem:s6], [sflag:$0x6], $0x780, $0x38;
	[tilespmem:$0x1F280] =	vst v63  }
0x51: {  	_ =	swait.ge [sflag:s21], $0x780  }
0x52: {  	[sflag:s21] =	ssyncset.done $0x0  }
0x53: {  	s14 =	simm.s32 $0x0;
	s15 =	rddreg [dreg:$0x14];
	[sflag:s21] =	ssyncadd.s32 $0xFFFFF880  }
0x54: {  	[tilespmem:s14], [sflag:$0x6] =	stream.linear.gather [hbm4b:s15+s14], $0x4E80, $0x38;
	[tilespmem:$0x1F280] =	vst v63  }
0x55: {  	_ =	swait.ge [sflag:s21], $0x4E80  }
0x56: {  	[sflag:s21] =	ssyncset.done $0x0  }
0x57: {  	s17 =	simm.s32 $0x4E80;
	s16 =	rddreg [dreg:$0x10];
	[sflag:s21] =	ssyncadd.s32 $0xFFFFB180  }
0x58: {  	[tilespmem:s17], [sflag:$0x6] =	stream.linear.gather [hbm4b:s16+s14], $0x4E80, $0x38;
	[tilespmem:$0x1F280] =	vst v63  }
0x59: {  	_ =	swait.ge [sflag:s21], $0x4E80  }
0x5a: {  	[sflag:s21] =	ssyncset.done $0x0  }
0x5b: {  	[sflag:s21] =	ssyncadd.s32 $0xFFFFB180  }
0x5c: {  	[bflag:$0x0] =	sbarrier.arrive $0xFFFF  }
0x5d: {  	[tilespmem:s8], [sflag:$0x1] =	stream.indirect.gather [hbm4b:s1+s25], $0x40, s14, s25, $0xb8;
	[tilespmem:$0x1F280] =	vst v63  }
0x5e: {  	_ = 	snop  }
0x5f: {  	[tilespmem:s26], [sflag:$0x2] =	stream.indirect.gather [hbm4b:s1+s25], $0x40, s25, s25, $0xb8;
	[tilespmem:$0x1F280] =	vst v63  }
0x60: {  	s18 =	simm.s32 $0x100  }
0x61: {  	[tilespmem:s29], [sflag:$0x3] =	stream.indirect.gather [hbm4b:s1+s25], $0x40, s18, s25, $0xb8;
	[tilespmem:$0x1F280] =	vst v63  }
0x62: {  	s19 =	simm.s32 $0x180  }
0x63: {  	[tilespmem:s31], [sflag:$0x4] =	stream.indirect.gather [hbm4b:s1+s25], $0x40, s19, s25, $0xb8;
	[tilespmem:$0x1F280] =	vst v63  }
0x64: {  	_ =	swait.ge [sflag:s2], $0x2000  }
0x65: {  	s30 =	simm.s32 @p0 $0x6;
	s9 =	simm.s32 @p0 $0x80;
	[sflag:s2] =	ssyncset.done $0x0  }
0x66: {  	s6 =	simm.s32 $0x4E80;
	s8 =	simm.s32 @p0 $0x9D00;
	[sflag:s2] =	ssyncadd.s32 $0xFFFFE000  }
0x67: {  	[spmem:s3] =	stream.indirect.scatter.add.f32 @p0 [tilespmem:s8], [sflag:$0x6], $0x40, s6, s9, $0xb8;
	[tilespmem:$0x1F280] =	vst v63  }
0x68: {  	_ =	swait.ge @p0 [sflag:s30], $0x2000  }
0x69: {  	[sflag:s30] =	ssyncset.done @p0 $0x0  }
0x6a: {  	s10 =	simm.s32 @p0 $0x200;
	[sflag:s30] =	ssyncadd.s32 @p0 $0xFFFFE000  }
0x6b: {  	[tilespmem:s8], [sflag:$0x1] =	stream.indirect.gather @p0 [hbm4b:s1+s9], $0x40, s10, s9, $0xb8;
	[tilespmem:$0x1F280] =	vst v63  }
0x6c: {  	s12 =	simm.s32 @!p0 $0x11D00;
	s10 =	simm.s32 @!p0 $0x80  }
0x6d: {  	[spmem:s4] =	stream.indirect.scatter.add.f32 @!p0 [tilespmem:s12], [sflag:$0x5], $0x10, s6, s10, $0xb8;
	[tilespmem:$0x1F280] =	vst v63  }
0x6e: {  	s11 =	simm.s32 @!p0 $0x6;
	s13 =	simm.s32 @!p0 $0x9D00  }
0x6f: {  	[spmem:s3] =	stream.indirect.scatter.add.f32 @!p0 [tilespmem:s13], [sflag:$0x6], $0x40, s6, s10, $0xb8;
	[tilespmem:$0x1F280] =	vst v63  }
0x70: {  	_ =	swait.ge @!p0 [sflag:s11], $0x2000  }
0x71: {  	[sflag:s11] =	ssyncset.done @!p0 $0x0  }
0x72: {  	s14 =	simm.s32 @!p0 $0x5;
	s6 =	simm.s32 @!p0 $0x200;
	[sflag:s11] =	ssyncadd.s32 @!p0 $0xFFFFE000  }
0x73: {  	[tilespmem:s13], [sflag:$0x1] =	stream.indirect.gather @!p0 [hbm4b:s1+s10], $0x40, s6, s10, $0xb8;
	[tilespmem:$0x1F280] =	vst v63  }
0x74: {  	_ =	swait.ge @!p0 [sflag:s14], $0x800  }
0x75: {  	[sflag:s14] =	ssyncset.done @!p0 $0x0  }
0x76: {  	[sflag:s14] =	ssyncadd.s32 @!p0 $0xFFFFF800  }
0x77: {  	_ =	swait.ge [sflag:s0], $0x2000  }
0x78: {  	s15 =	simm.s32 @!p1 $0x11D00;
	[sflag:s0] =	ssyncset.done $0x0  }
0x79: {  	s16 =	simm.s32 @!p1 $0x80;
	s6 =	simm.s32 @!p1 $0x4F00;
	[sflag:s0] =	ssyncadd.s32 $0xFFFFE000  }
0x7a: {  	[spmem:s4] =	stream.indirect.scatter.add.f32 @!p1 [tilespmem:s15], [sflag:$0x5], $0x10, s6, s16, $0xb8;
	[tilespmem:$0x1F280] =	vst v63  }
0x7b: {  	s20 =	simm.s32 $0x4F00  }
0x7c: {  	[spmem:s3] =	stream.indirect.scatter.add.f32 [tilespmem:s26], [sflag:$0x6], $0x40, s20, s25, $0xb8;
	[tilespmem:$0x1F280] =	vst v63  }
0x7d: {  	p2 =	por $0x0, $0x0;
	_ =	swait.ge [sflag:s21], $0x2000  }
0x7e: {  	s17 =	simm.s32 @!p1 $0x5;
	s18 =	simm.s32 @!p2 $0x280;
	[sflag:s21] =	ssyncset.done $0x0  }
0x7f: {  	s19 =	simm.s32 @!p2 $0x80;
	s6 =	simm.s32 @!p2 $0xBD00;
	[sflag:s21] =	ssyncadd.s32 $0xFFFFE000  }
0x80: {  	[tilespmem:s6], [sflag:$0x2] =	stream.indirect.gather @!p2 [hbm4b:s1+s19], $0x40, s18, s19, $0xb8;
	[tilespmem:$0x1F280] =	vst v63  }
0x81: {  	_ =	swait.ge @!p1 [sflag:s17], $0x800  }
0x82: {  	[sflag:s17] =	ssyncset.done @!p1 $0x0  }
0x83: {  	[sflag:s17] =	ssyncadd.s32 @!p1 $0xFFFFF800  }
0x84: {  	_ =	swait.ge [sflag:s24], $0x2000  }
0x85: {  	[sflag:s24] =	ssyncset.done $0x0  }
0x86: {  	s6 =	simm.s32 @!p0 $0x4F80;
	[sflag:s24] =	ssyncadd.s32 $0xFFFFE000  }
0x87: {  	[spmem:s4] =	stream.indirect.scatter.add.f32 @!p0 [tilespmem:s12], [sflag:$0x5], $0x10, s6, s10, $0xb8;
	[tilespmem:$0x1F280] =	vst v63  }
0x88: {  	s22 =	simm.s32 $0x4F80  }
0x89: {  	[spmem:s3] =	stream.indirect.scatter.add.f32 [tilespmem:s29], [sflag:$0x6], $0x40, s22, s25, $0xb8;
	[tilespmem:$0x1F280] =	vst v63  }
0x8a: {  	_ =	swait.ge [sflag:s21], $0x2000  }
0x8b: {  	[sflag:s21] =	ssyncset.done $0x0  }
0x8c: {  	s18 =	simm.s32 @!p2 $0xDD00;
	s6 =	simm.s32 @!p2 $0x300;
	[sflag:s21] =	ssyncadd.s32 $0xFFFFE000  }
0x8d: {  	[tilespmem:s18], [sflag:$0x3] =	stream.indirect.gather @!p2 [hbm4b:s1+s19], $0x40, s6, s19, $0xb8;
	[tilespmem:$0x1F280] =	vst v63  }
0x8e: {  	_ =	swait.ge @!p0 [sflag:s14], $0x800  }
0x8f: {  	[sflag:s14] =	ssyncset.done @!p0 $0x0  }
0x90: {  	[sflag:s14] =	ssyncadd.s32 @!p0 $0xFFFFF800  }
0x91: {  	_ =	swait.ge [sflag:s28], $0x2000  }
0x92: {  	[sflag:s28] =	ssyncset.done $0x0  }
0x93: {  	s6 =	simm.s32 @!p1 $0x5000;
	[sflag:s28] =	ssyncadd.s32 $0xFFFFE000  }
0x94: {  	[spmem:s4] =	stream.indirect.scatter.add.f32 @!p1 [tilespmem:s15], [sflag:$0x5], $0x10, s6, s16, $0xb8;
	[tilespmem:$0x1F280] =	vst v63  }
0x95: {  	s23 =	simm.s32 $0x5000  }
0x96: {  	[spmem:s3] =	stream.indirect.scatter.add.f32 [tilespmem:s31], [sflag:$0x6], $0x40, s23, s25, $0xb8;
	[tilespmem:$0x1F280] =	vst v63  }
0x97: {  	_ =	swait.ge [sflag:s21], $0x2000  }
0x98: {  	[sflag:s21] =	ssyncset.done $0x0  }
0x99: {  	s18 =	simm.s32 @!p2 $0xFD00;
	s6 =	simm.s32 @!p2 $0x380;
	[sflag:s21] =	ssyncadd.s32 $0xFFFFE000  }
0x9a: {  	[tilespmem:s18], [sflag:$0x4] =	stream.indirect.gather @!p2 [hbm4b:s1+s19], $0x40, s6, s19, $0xb8;
	[tilespmem:$0x1F280] =	vst v63  }
0x9b: {  	_ =	swait.ge @!p1 [sflag:s17], $0x800  }
0x9c: {  	s18 =	simm.s32 $0x800;
	[sflag:s17] =	ssyncset.done @!p1 $0x0  }
.LBB2_4:
0x9d: {  	[sflag:s17] =	ssyncadd.s32 @!p1 $0xFFFFF800;
	s6 =	smov.u32 s18;
	s18 =	sadd.s32 $0x800, s18  }
0x9e: {  	_ =	swait.ge [sflag:s2], $0x2000;
	p2 =	sne.s32 s18, $0x13800  }
0x9f: {  	s19 =	sshra.s32 s6, $0x2;
	[sflag:s2] =	ssyncset.done $0x0  }
0xa0: {  	s23 =	sadd.s32 $0x4E80, s19;
	[sflag:s2] =	ssyncadd.s32 $0xFFFFE000  }
0xa1: {  	[spmem:s3] =	stream.indirect.scatter.add.f32 @p0 [tilespmem:s8], [sflag:$0x6], $0x40, s23, s9, $0xb8;
	[tilespmem:$0x1F280] =	vst v63  }
0xa2: {  	_ =	swait.ge @p0 [sflag:s30], $0x2000  }
0xa3: {  	s7 =	sshra.s32 @p0 s6, $0x2;
	[sflag:s30] =	ssyncset.done @p0 $0x0  }
0xa4: {  	s7 =	sadd.s32 @p0 $0x200, s7;
	[sflag:s30] =	ssyncadd.s32 @p0 $0xFFFFE000  }
0xa5: {  	[tilespmem:s8], [sflag:$0x1] =	stream.indirect.gather @p0 [hbm4b:s1+s9], $0x40, s7, s9, $0xb8;
	[tilespmem:$0x1F280] =	vst v63  }
0xa6: {  	_ = 	snop  }
0xa7: {  	[spmem:s4] =	stream.indirect.scatter.add.f32 @!p0 [tilespmem:s12], [sflag:$0x5], $0x10, s23, s10, $0xb8;
	[tilespmem:$0x1F280] =	vst v63  }
0xa8: {  	_ = 	snop  }
0xa9: {  	[spmem:s3] =	stream.indirect.scatter.add.f32 @!p0 [tilespmem:s13], [sflag:$0x6], $0x40, s23, s10, $0xb8;
	[tilespmem:$0x1F280] =	vst v63  }
0xaa: {  	_ =	swait.ge @!p0 [sflag:s11], $0x2000  }
0xab: {  	s7 =	sshra.s32 @!p0 s6, $0x2;
	[sflag:s11] =	ssyncset.done @!p0 $0x0  }
0xac: {  	s23 =	sadd.s32 @!p0 $0x200, s7;
	[sflag:s11] =	ssyncadd.s32 @!p0 $0xFFFFE000  }
0xad: {  	[tilespmem:s13], [sflag:$0x1] =	stream.indirect.gather @!p0 [hbm4b:s1+s10], $0x40, s23, s10, $0xb8;
	[tilespmem:$0x1F280] =	vst v63  }
0xae: {  	_ =	swait.ge @!p0 [sflag:s14], $0x800  }
0xaf: {  	[sflag:s14] =	ssyncset.done @!p0 $0x0  }
0xb0: {  	[sflag:s14] =	ssyncadd.s32 @!p0 $0xFFFFF800  }
0xb1: {  	_ =	swait.ge [sflag:s0], $0x2000  }
0xb2: {  	s23 =	sshra.s32 @!p1 s6, $0x2;
	[sflag:s0] =	ssyncset.done $0x0  }
0xb3: {  	s22 =	sadd.s32 @!p1 $0x4F00, s23;
	[sflag:s0] =	ssyncadd.s32 $0xFFFFE000  }
0xb4: {  	[spmem:s4] =	stream.indirect.scatter.add.f32 @!p1 [tilespmem:s15], [sflag:$0x5], $0x10, s22, s16, $0xb8;
	[tilespmem:$0x1F280] =	vst v63  }
0xb5: {  	s22 =	sadd.s32 $0x4F00, s19  }
0xb6: {  	[spmem:s3] =	stream.indirect.scatter.add.f32 [tilespmem:s26], [sflag:$0x6], $0x40, s22, s25, $0xb8;
	[tilespmem:$0x1F280] =	vst v63  }
0xb7: {  	p3 =	seq.s32 s6, $0x13000;
	_ =	swait.ge [sflag:s21], $0x2000  }
0xb8: {  	s6 =	sshra.s32 @!p3 s6, $0x2;
	s22 =	simm.s32 @!p3 $0xBD00;
	[sflag:s21] =	ssyncset.done $0x0  }
0xb9: {  	s5 =	simm.s32 @!p3 $0x80;
	s20 =	sadd.s32 @!p3 $0x280, s6;
	[sflag:s21] =	ssyncadd.s32 $0xFFFFE000  }
0xba: {  	[tilespmem:s22], [sflag:$0x2] =	stream.indirect.gather @!p3 [hbm4b:s1+s5], $0x40, s20, s5, $0xb8;
	[tilespmem:$0x1F280] =	vst v63  }
0xbb: {  	s20 =	sadd.s32 @!p3 $0x300, s6;
	s6 =	sadd.s32 @!p3 $0x380, s6;
	_ =	swait.ge @!p1 [sflag:s17], $0x800  }
0xbc: {  	[sflag:s17] =	ssyncset.done @!p1 $0x0  }
0xbd: {  	[sflag:s17] =	ssyncadd.s32 @!p1 $0xFFFFF800  }
0xbe: {  	_ =	swait.ge [sflag:s24], $0x2000  }
0xbf: {  	[sflag:s24] =	ssyncset.done $0x0  }
0xc0: {  	s7 =	sadd.s32 @!p0 $0x4F80, s7;
	[sflag:s24] =	ssyncadd.s32 $0xFFFFE000  }
0xc1: {  	[spmem:s4] =	stream.indirect.scatter.add.f32 @!p0 [tilespmem:s12], [sflag:$0x5], $0x10, s7, s10, $0xb8;
	[tilespmem:$0x1F280] =	vst v63  }
0xc2: {  	s7 =	sadd.s32 $0x4F80, s19  }
0xc3: {  	[spmem:s3] =	stream.indirect.scatter.add.f32 [tilespmem:s29], [sflag:$0x6], $0x40, s7, s25, $0xb8;
	[tilespmem:$0x1F280] =	vst v63  }
0xc4: {  	_ =	swait.ge [sflag:s21], $0x2000  }
0xc5: {  	[sflag:s21] =	ssyncset.done $0x0  }
0xc6: {  	s7 =	simm.s32 @!p3 $0xDD00;
	[sflag:s21] =	ssyncadd.s32 $0xFFFFE000  }
0xc7: {  	[tilespmem:s7], [sflag:$0x3] =	stream.indirect.gather @!p3 [hbm4b:s1+s5], $0x40, s20, s5, $0xb8;
	[tilespmem:$0x1F280] =	vst v63  }
0xc8: {  	_ =	swait.ge @!p0 [sflag:s14], $0x800  }
0xc9: {  	[sflag:s14] =	ssyncset.done @!p0 $0x0  }
0xca: {  	[sflag:s14] =	ssyncadd.s32 @!p0 $0xFFFFF800  }
0xcb: {  	_ =	swait.ge [sflag:s28], $0x2000  }
0xcc: {  	[sflag:s28] =	ssyncset.done $0x0  }
0xcd: {  	s7 =	sadd.s32 @!p1 $0x5000, s23;
	[sflag:s28] =	ssyncadd.s32 $0xFFFFE000  }
0xce: {  	[spmem:s4] =	stream.indirect.scatter.add.f32 @!p1 [tilespmem:s15], [sflag:$0x5], $0x10, s7, s16, $0xb8;
	[tilespmem:$0x1F280] =	vst v63  }
0xcf: {  	s7 =	sadd.s32 $0x5000, s19  }
0xd0: {  	[spmem:s3] =	stream.indirect.scatter.add.f32 [tilespmem:s31], [sflag:$0x6], $0x40, s7, s25, $0xb8;
	[tilespmem:$0x1F280] =	vst v63  }
0xd1: {  	_ =	swait.ge [sflag:s21], $0x2000  }
.Ltmp1:
0xd2: {  	[sflag:s21] =	ssyncset.done $0x0;
	(pc) =	sbr.rel @p2 .LBB2_4-.Ltmp1, $4  }
0xd3: {  	s7 =	simm.s32 @!p3 $0xFD00;
	[sflag:s21] =	ssyncadd.s32 $0xFFFFE000  }
0xd4: {  	[tilespmem:s7], [sflag:$0x4] =	stream.indirect.gather @!p3 [hbm4b:s1+s5], $0x40, s6, s5, $0xb8;
	[tilespmem:$0x1F280] =	vst v63  }
0xd5: {  	_ =	swait.ge @!p1 [sflag:s17], $0x800  }
0xd6: {  	[sflag:s17] =	ssyncset.done @!p1 $0x0  }
0xd7: {  	[sflag:s17] =	ssyncadd.s32 @!p1 $0xFFFFF800  }
0xd8: {  	_ =	swait.ge [sflag:s2], $0x2000  }
0xd9: {  	[sflag:s2] =	ssyncset.done $0x0  }
0xda: {  	s5 =	simm.s32 @p0 $0x9C80;
	[sflag:s2] =	ssyncadd.s32 $0xFFFFE000  }
0xdb: {  	[spmem:s3] =	stream.indirect.scatter.add.f32 @p0 [tilespmem:s8], [sflag:$0x6], $0x40, s5, s9, $0xb8;
	[tilespmem:$0x1F280] =	vst v63  }
0xdc: {  	_ =	swait.ge @p0 [sflag:s30], $0x2000  }
0xdd: {  	[sflag:s30] =	ssyncset.done @p0 $0x0  }
0xde: {  	s5 =	simm.s32 @!p0 $0x9C80;
	[sflag:s30] =	ssyncadd.s32 @p0 $0xFFFFE000  }
0xdf: {  	[spmem:s4] =	stream.indirect.scatter.add.f32 @!p0 [tilespmem:s12], [sflag:$0x5], $0x10, s5, s10, $0xb8;
	[tilespmem:$0x1F280] =	vst v63  }
0xe0: {  	_ = 	snop  }
0xe1: {  	[spmem:s3] =	stream.indirect.scatter.add.f32 @!p0 [tilespmem:s13], [sflag:$0x6], $0x40, s5, s10, $0xb8;
	[tilespmem:$0x1F280] =	vst v63  }
0xe2: {  	_ =	swait.ge @!p0 [sflag:s11], $0x2000  }
0xe3: {  	[sflag:s11] =	ssyncset.done @!p0 $0x0  }
0xe4: {  	[sflag:s11] =	ssyncadd.s32 @!p0 $0xFFFFE000  }
0xe5: {  	_ =	swait.ge @!p0 [sflag:s14], $0x800  }
0xe6: {  	[sflag:s14] =	ssyncset.done @!p0 $0x0  }
0xe7: {  	[sflag:s14] =	ssyncadd.s32 @!p0 $0xFFFFF800  }
0xe8: {  	s19 =	stileid.u32;
	[bflag:$0x0] =	sbarrier.arrive $0xFFFF  }
0xe9: {  	s5 =	sshll.u32 s19, $0x6;
	s7 =	rddreg [dreg:$0x6]  }
0xea: {  	s5 =	sor.u32 $0x1C06, s5;
	s20 =	rddreg [dreg:$0x11];
	s6 =	sshrl.u32 s7, $0x3  }
0xeb: {  	[hbm:s20], [sflag:s5] =	dma.local [spmem:s6], $0x13C0  }
0xec: {  	_ =	swait.ge [sflag:s21], $0x13C0  }
0xed: {  	[sflag:s21] =	ssyncset.done $0x0;
	s17 =	rddreg [dreg:$0x7]  }
0xee: {  	s23 =	rddreg [dreg:$0x12];
	[sflag:s21] =	ssyncadd.s32 $0xFFFFEC40;
	s22 =	sshrl.u32 s17, $0x3  }
0xef: {  	[hbm:s23], [sflag:s5] =	dma.local [spmem:s22], $0x4F0  }
0xf0: {  	_ =	swait.ge [sflag:s21], $0x4F0  }
0xf1: {  	s16 =	rddreg [dreg:$0x5]  }
0xf2: {  	s30 =	rddreg [dreg:$0x13];
	s16 =	sadd.s32 $0x1, s16  }
0xf3: {  	p2 =	sne.s32 s16, s30  }
.Ltmp2:
0xf4: {  	_ = 	snop;
	(pc) =	sbr.rel @p2 .LBB2_1-.Ltmp2, $3  }
0xf5: {  	_ =	sdelay $0x1  }
0xf6: {  	[sflag:s21] =	ssyncset.done $0x0  }
0xf7: {  	[sflag:s21] =	ssyncadd.s32 $0xFFFFFB10  }
0xf8: {  	_ =	sfence.sel $0x180000  }
0xf9: {  	[bflag:$0x0] =	sbarrier.arrive $0xFFFF  }
0xfa: {  	_ =	strace $0x90000047  }
0xfb: {  	s0 =	stileid.u32;
	[bflag:$0x2] =	sbarrier.arrive $0xFFFF  }
0xfc: {  	p0 =	sne.s32 s0, $0x0;
	s0 =	rddreg [dreg:$0x4]  }
0xfd: {  	s0 =	sadd.s32 @!p0 $0x100000, s0  }
0xfe: {  	[sflag:s0] =	ssyncadd.tile.s32 @!p0 $0x1;
	_ =	shalt  }
.Lfunc_end2:
_tile_overlayer_lowered:
.L_overlay_start_2:
0xff: {  	(tag) =	ssettag $0x2  }
0x100: {  	s0 =	rddreg [dreg:$0x0];
	s2 =	stileid.u32  }
0x101: {  	s1 =	rddreg [dreg:$0x1];
	p0 =	sne.s32 s2, $0x0  }
0x102: {  	s3 =	rddreg [dreg:$0x2];
	[bflag:$0x3] =	sbarrier.arrive $0xFFFF;
	s2 =	simm.s32 @!p0 $0x1C06  }
0x103: {  	[timem:s3], [sflag:s2] =	dma.local @!p0 [hbm:s0], s1  }
0x104: {  	s0 =	simm.s32 @!p0 $0x6  }
0x105: {  	_ =	swait.ge @!p0 [sflag:s0], s1  }
0x106: {  	s1 =	ssub.s32 @!p0 $0x0, s1;
	[sflag:s0] =	ssyncset.done @!p0 $0x0  }
0x107: {  	[sflag:s0] =	ssyncadd.s32 @!p0 s1  }
0x108: {  	[bflag:$0x3] =	sbarrier.arrive $0xFFFF  }
0x109: {  	_ =	shalt  }

</sc_bundles>
